<compile_context>
chip_gen: v7x
topology: tpu7x:2x2x1
jax: 0.10.2.dev20260603
libtpu: 0.0.44.dev20260713+nightly
codegen_flags: <defaults>
</compile_context>

<pallas_src>
import jax
import jax.numpy as jnp
from jax import lax
from jax.experimental import pallas as pl
from jax.experimental.pallas import tpu as pltpu
from jax.experimental.pallas import tpu_sc as plsc

N = 10000
E = 320000
D = 128
M = 64
EPS = 1e-5

BLK = 1000
GRID = N // BLK

NC, NS = 2, 16
NW = NC * NS
NPAD = 10112
RPT = NPAD // NS
CH = 128
CHUNKS = 157
EPT = CHUNKS * CH
P = NW * EPT


def _mm(x, w):
    return lax.dot_general(x, w, (((1,), (1,)), ((), ())),
                           preferred_element_type=jnp.float32)


def _scatter_body(xn_hbm, src_hbm, dst_hbm, zeros_hbm, out_hbm,
                  src_v, dst_v, rows_v, acc_sh, gi, gg, gs):
    c = lax.axis_index("c")
    s = lax.axis_index("s")
    wid = s * NC + c
    r0 = s * RPT
    pltpu.sync_copy(zeros_hbm.at[pl.ds(r0, RPT)], acc_sh.at[pl.ds(r0, RPT)])
    plsc.subcore_barrier()
    base = wid * EPT

    pltpu.sync_copy(src_hbm.at[pl.ds(base, CH)], src_v)

    def chunk(i, carry):
        boff = base + i * CH
        d = pltpu.async_copy(dst_hbm.at[pl.ds(boff, CH)], dst_v, gi)
        g = pltpu.async_copy(xn_hbm.at[src_v], rows_v, gg)
        g.wait()
        nboff = base + lax.min(i + 1, CHUNKS - 1) * CH
        pltpu.async_copy(src_hbm.at[pl.ds(nboff, CH)], src_v, gs)
        d.wait()
        pltpu.sync_copy(rows_v, acc_sh.at[dst_v], add=True)
        pltpu.make_async_copy(src_hbm.at[pl.ds(base, CH)], src_v, gs).wait()
        return carry

    lax.fori_loop(0, CHUNKS, chunk, 0)
    plsc.subcore_barrier()
    pltpu.sync_copy(acc_sh.at[pl.ds(r0, RPT)], out_hbm.at[c, pl.ds(r0, RPT)])


_edge_scatter = pl.kernel(
    _scatter_body,
    out_type=jax.ShapeDtypeStruct((NC, NPAD, D), jnp.float32),
    mesh=plsc.VectorSubcoreMesh(core_axis_name="c", subcore_axis_name="s"),
    scratch_types=[
        pltpu.VMEM((CH,), jnp.int32),
        pltpu.VMEM((CH,), jnp.int32),
        pltpu.VMEM((CH, D), jnp.float32),
        pltpu.VMEM_SHARED((NPAD, D), jnp.float32),
        pltpu.SemaphoreType.DMA,
        pltpu.SemaphoreType.DMA,
        pltpu.SemaphoreType.DMA,
    ],
)


def _dense2_body(x_ref, w0_ref, b0_ref, w1_ref, b1_ref, out0_ref, xn_ref):
    x = x_ref[...]
    out0_ref[...] = _mm(x, w0_ref[...]) + b0_ref[...]
    xn_ref[...] = _mm(x, w1_ref[...]) + b1_ref[...]


def _dense2(x, w0, b0, w1, b1):
    full = lambda shape: pl.BlockSpec(shape, lambda i: (0, 0))
    return pl.pallas_call(
        _dense2_body,
        grid=(GRID,),
        in_specs=[
            pl.BlockSpec((BLK, D), lambda i: (i, 0)),
            full((D, D)), full((1, D)), full((D, D)), full((1, D)),
        ],
        out_specs=[
            pl.BlockSpec((BLK, D), lambda i: (i, 0)),
            pl.BlockSpec((BLK, D), lambda i: (i, 0)),
        ],
        out_shape=[
            jax.ShapeDtypeStruct((N, D), jnp.float32),
            jax.ShapeDtypeStruct((N, D), jnp.float32),
        ],
    )(x, w0, b0, w1, b1)


def _combine_body(out0_ref, acc0_ref, acc1_ref, h_ref, stats_ref, sacc):
    i = pl.program_id(0)
    h = out0_ref[...] + acc0_ref[0] + acc1_ref[0]
    h_ref[...] = h

    @pl.when(i == 0)
    def _():
        sacc[...] = jnp.zeros_like(sacc)

    s1 = jnp.sum(h, axis=0, keepdims=True)
    s2 = jnp.sum(h * h, axis=0, keepdims=True)
    sacc[...] += jnp.concatenate([s1, s2], axis=0)

    @pl.when(i == GRID - 1)
    def _():
        stats_ref[...] = sacc[...]


def _combine(out0, acc):
    return pl.pallas_call(
        _combine_body,
        grid=(GRID,),
        in_specs=[
            pl.BlockSpec((BLK, D), lambda i: (i, 0)),
            pl.BlockSpec((1, BLK, D), lambda i: (0, i, 0)),
            pl.BlockSpec((1, BLK, D), lambda i: (1, i, 0)),
        ],
        out_specs=[
            pl.BlockSpec((BLK, D), lambda i: (i, 0)),
            pl.BlockSpec((2, D), lambda i: (0, 0)),
        ],
        out_shape=[
            jax.ShapeDtypeStruct((N, D), jnp.float32),
            jax.ShapeDtypeStruct((2, D), jnp.float32),
        ],
        scratch_shapes=[pltpu.VMEM((2, D), jnp.float32)],
    )(out0, acc, acc)


def _bn_apply(h, stats, g, b):
    mu = stats[0:1] / N
    var = stats[1:2] / N - mu * mu
    inv = lax.rsqrt(var + EPS)
    return jnp.maximum(g * (h - mu) * inv + b, 0.0)


def _bnrelu_dense2_body(h_ref, stats_ref, g_ref, b_ref,
                        w0_ref, b0_ref, w1_ref, b1_ref, out0_ref, xn_ref):
    x = _bn_apply(h_ref[...], stats_ref[...], g_ref[...], b_ref[...])
    out0_ref[...] = _mm(x, w0_ref[...]) + b0_ref[...]
    xn_ref[...] = _mm(x, w1_ref[...]) + b1_ref[...]


def _bnrelu_dense2(h, stats, g, b, w0, b0, w1, b1):
    full = lambda shape: pl.BlockSpec(shape, lambda i: (0, 0))
    return pl.pallas_call(
        _bnrelu_dense2_body,
        grid=(GRID,),
        in_specs=[
            pl.BlockSpec((BLK, D), lambda i: (i, 0)),
            full((2, D)), full((1, D)), full((1, D)),
            full((D, D)), full((1, D)), full((D, D)), full((1, D)),
        ],
        out_specs=[
            pl.BlockSpec((BLK, D), lambda i: (i, 0)),
            pl.BlockSpec((BLK, D), lambda i: (i, 0)),
        ],
        out_shape=[
            jax.ShapeDtypeStruct((N, D), jnp.float32),
            jax.ShapeDtypeStruct((N, D), jnp.float32),
        ],
    )(h, stats, g, b, w0, b0, w1, b1)


def _final_body(h_ref, stats_ref, g_ref, b_ref, idx_ref,
                fc1_w_ref, fc1_b_ref,
                st1_w_ref, st1_b_ref, se1_w_ref, se1_b_ref,
                fu1_w_ref, fu1_b_ref, ae1_w_ref, ae1_b_ref,
                st2_w_ref, st2_b_ref, se2_w_ref, se2_b_ref,
                fu2_w_ref, fu2_b_ref, ae2_w_ref, ae2_b_ref,
                st_ref, se_ref, fu_ref, ae_ref, seg_acc, cnt_acc):
    i = pl.program_id(0)
    x = _bn_apply(h_ref[...], stats_ref[...], g_ref[...], b_ref[...])

    @pl.when(i == 0)
    def _():
        seg_acc[...] = jnp.zeros_like(seg_acc)
        cnt_acc[...] = jnp.zeros_like(cnt_acc)

    idx = idx_ref[0]
    seg_ids = lax.broadcasted_iota(jnp.int32, (M, BLK), 0)
    onehot = (seg_ids == idx).astype(jnp.float32)
    seg_acc[...] += jnp.dot(onehot, x, preferred_element_type=jnp.float32)
    cnt = jnp.sum(onehot, axis=1, keepdims=True)
    cnt_acc[...] += jnp.broadcast_to(cnt, (M, D))

    @pl.when(i == GRID - 1)
    def _():
        mean = seg_acc[...] / jnp.maximum(cnt_acc[...], 1.0)
        relu = lambda v: jnp.maximum(v, 0.0)
        o = relu(_mm(mean, fc1_w_ref[...]) + fc1_b_ref[...])
        st_ref[...] = _mm(relu(_mm(o, st1_w_ref[...]) + st1_b_ref[...]),
                          st2_w_ref[...]) + st2_b_ref[...]
        se_ref[...] = _mm(relu(_mm(o, se1_w_ref[...]) + se1_b_ref[...]),
                          se2_w_ref[...]) + se2_b_ref[...]
        fu_ref[...] = _mm(relu(_mm(o, fu1_w_ref[...]) + fu1_b_ref[...]),
                          fu2_w_ref[...]) + fu2_b_ref[...]
        ae_ref[...] = _mm(relu(_mm(o, ae1_w_ref[...]) + ae1_b_ref[...]),
                          ae2_w_ref[...]) + ae2_b_ref[...]


def _final(h, stats, g, b, idx3, fc1_w, fc1_b,
           st1_w, st1_b, se1_w, se1_b, fu1_w, fu1_b, ae1_w, ae1_b,
           st2_w, st2_b, se2_w, se2_b, fu2_w, fu2_b, ae2_w, ae2_b):
    full = lambda shape: pl.BlockSpec(shape, lambda i: tuple(0 for _ in shape))
    return pl.pallas_call(
        _final_body,
        grid=(GRID,),
        in_specs=[
            pl.BlockSpec((BLK, D), lambda i: (i, 0)),
            full((2, D)), full((1, D)), full((1, D)),
            pl.BlockSpec((1, 1, BLK), lambda i: (i, 0, 0)),
            full((512, D)), full((1, 512)),
            full((256, 512)), full((1, 256)), full((256, 512)), full((1, 256)),
            full((256, 512)), full((1, 256)), full((256, 512)), full((1, 256)),
            full((3, 256)), full((1, 3)), full((2, 256)), full((1, 2)),
            full((4, 256)), full((1, 4)), full((5, 256)), full((1, 5)),
        ],
        out_specs=[
            pl.BlockSpec((M, 3), lambda i: (0, 0)),
            pl.BlockSpec((M, 2), lambda i: (0, 0)),
            pl.BlockSpec((M, 4), lambda i: (0, 0)),
            pl.BlockSpec((M, 5), lambda i: (0, 0)),
        ],
        out_shape=[
            jax.ShapeDtypeStruct((M, 3), jnp.float32),
            jax.ShapeDtypeStruct((M, 2), jnp.float32),
            jax.ShapeDtypeStruct((M, 4), jnp.float32),
            jax.ShapeDtypeStruct((M, 5), jnp.float32),
        ],
        scratch_shapes=[pltpu.VMEM((M, D), jnp.float32),
                        pltpu.VMEM((M, D), jnp.float32)],
    )(h, stats, g, b, idx3, fc1_w, fc1_b,
      st1_w, st1_b, se1_w, se1_b, fu1_w, fu1_b, ae1_w, ae1_b,
      st2_w, st2_b, se2_w, se2_b, fu2_w, fu2_b, ae2_w, ae2_b)


def kernel(verts, edges, verts_idx, g0_w0, g0_b0, g0_w1, g0_b1,
           g1_w0, g1_b0, g1_w1, g1_b1, bn0_g, bn0_b, bn1_g, bn1_b,
           fc1_w, fc1_b, st1_w, st1_b, se1_w, se1_b, fu1_w, fu1_b,
           ae1_w, ae1_b, st2_w, st2_b, se2_w, se2_b, fu2_w, fu2_b,
           ae2_w, ae2_b):
    r = lambda v: v.reshape(1, -1)
    e0 = edges[:, 0]
    e1 = edges[:, 1]
    pad = P - 2 * E
    src = jnp.concatenate([e1, e0, jnp.zeros((pad,), jnp.int32)])
    dst = jnp.concatenate([e0, e1, N + (jnp.arange(pad) % (NPAD - N))])
    dst = dst.astype(jnp.int32)
    srcp = src
    dstp = dst
    zeros = jnp.zeros((NPAD, D), jnp.float32)
    idx3 = verts_idx.reshape(GRID, 1, BLK)

    out0, xn0 = _dense2(verts, g0_w0, r(g0_b0), g0_w1, r(g0_b1))
    acc = _edge_scatter(xn0, srcp, dstp, zeros)
    h1, stats1 = _combine(out0, acc)
    out1, xn1 = _bnrelu_dense2(h1, stats1, r(bn0_g), r(bn0_b),
                               g1_w0, r(g1_b0), g1_w1, r(g1_b1))
    acc2 = _edge_scatter(xn1, srcp, dstp, zeros)
    h2, stats2 = _combine(out1, acc2)
    return _final(h2, stats2, r(bn1_g), r(bn1_b), idx3, fc1_w, r(fc1_b),
                  st1_w, r(st1_b), se1_w, r(se1_b), fu1_w, r(fu1_b),
                  ae1_w, r(ae1_b), st2_w, r(st2_b), se2_w, r(se2_b),
                  fu2_w, r(fu2_b), ae2_w, r(ae2_b))

# --- scband reference (transcript-rebuilt; emitter-appended) ---
"""Pipeline reference for scband-graph-conv-clf3-67327907332512 (READ-ONLY COPY).

The authoritative reference and input builder live on the scoring server;
editing this copy changes nothing except your own understanding.
"""

import jax, jax.numpy as jnp
import numpy as np

N = 10000
E = 320000
D = 128
M = 64

def _lin(key, out_d, in_d):
    return jax.random.normal(key, (out_d, in_d), dtype=jnp.float32) * 0.01

def setup_inputs(seed: int = 0):
    key = jax.random.key(seed)
    ks = jax.random.split(key, 32)
    inp = {}
    inp["verts"] = jax.random.normal(ks[0], (N, D), dtype=jnp.float32)
    inp["edges"] = jax.random.randint(ks[1], (E, 2), 0, N, dtype=jnp.int32)
    inp["verts_idx"] = jnp.sort(jax.random.randint(ks[2], (N,), 0, M, dtype=jnp.int32))
    inp["g0_w0"] = _lin(ks[3], D, D); inp["g0_b0"] = jnp.zeros((D,), jnp.float32)
    inp["g0_w1"] = _lin(ks[4], D, D); inp["g0_b1"] = jnp.zeros((D,), jnp.float32)
    inp["g1_w0"] = _lin(ks[5], D, D); inp["g1_b0"] = jnp.zeros((D,), jnp.float32)
    inp["g1_w1"] = _lin(ks[6], D, D); inp["g1_b1"] = jnp.zeros((D,), jnp.float32)
    inp["bn0_g"] = jnp.ones((D,), jnp.float32); inp["bn0_b"] = jnp.zeros((D,), jnp.float32)
    inp["bn1_g"] = jnp.ones((D,), jnp.float32); inp["bn1_b"] = jnp.zeros((D,), jnp.float32)
    inp["fc1_w"] = _lin(ks[7], 512, D); inp["fc1_b"] = jnp.zeros((512,), jnp.float32)
    inp["st1_w"] = _lin(ks[8], 256, 512); inp["st1_b"] = jnp.zeros((256,), jnp.float32)
    inp["se1_w"] = _lin(ks[9], 256, 512); inp["se1_b"] = jnp.zeros((256,), jnp.float32)
    inp["fu1_w"] = _lin(ks[10], 256, 512); inp["fu1_b"] = jnp.zeros((256,), jnp.float32)
    inp["ae1_w"] = _lin(ks[11], 256, 512); inp["ae1_b"] = jnp.zeros((256,), jnp.float32)
    inp["st2_w"] = _lin(ks[12], 3, 256); inp["st2_b"] = jnp.zeros((3,), jnp.float32)
    inp["se2_w"] = _lin(ks[13], 2, 256); inp["se2_b"] = jnp.zeros((2,), jnp.float32)
    inp["fu2_w"] = _lin(ks[14], 4, 256); inp["fu2_b"] = jnp.zeros((4,), jnp.float32)
    inp["ae2_w"] = _lin(ks[15], 5, 256); inp["ae2_b"] = jnp.zeros((5,), jnp.float32)
    return inp

def _graph_conv(x, edges, w0, b0, w1, b1):
    # pytorch3d GraphConv (directed=False): w0(x) + undirected neighbor-sum of w1(x)
    out = x @ w0.T + b0
    xn = x @ w1.T + b1
    e0 = edges[:, 0]; e1 = edges[:, 1]
    out = out.at[e0].add(xn[e1])
    out = out.at[e1].add(xn[e0])
    return out

def _bn(x, g, b):
    # nn.BatchNorm1d in training mode (batch statistics)
    mu = jnp.mean(x, axis=0)
    var = jnp.var(x, axis=0)
    return g * (x - mu) / jnp.sqrt(var + 1e-5) + b

def reference(verts, edges, verts_idx, g0_w0, g0_b0, g0_w1, g0_b1, g1_w0, g1_b0, g1_w1, g1_b1, bn0_g, bn0_b, bn1_g, bn1_b, fc1_w, fc1_b, st1_w, st1_b, se1_w, se1_b, fu1_w, fu1_b, ae1_w, ae1_b, st2_w, st2_b, se2_w, se2_b, fu2_w, fu2_b, ae2_w, ae2_b):
    x = _graph_conv(verts, edges, g0_w0, g0_b0, g0_w1, g0_b1)
    x = jax.nn.relu(_bn(x, bn0_g, bn0_b))
    x = _graph_conv(x, edges, g1_w0, g1_b0, g1_w1, g1_b1)
    x = jax.nn.relu(_bn(x, bn1_g, bn1_b))
    # packed_to_list + per-mesh mean == segment mean over verts_idx
    sums = jax.ops.segment_sum(x, verts_idx, num_segments=M)
    counts = jnp.bincount(verts_idx, length=M).astype(x.dtype)
    out = sums / jnp.maximum(counts, 1.0)[:, None]
    out = jax.nn.relu(out @ fc1_w.T + fc1_b)
    st = jax.nn.relu(out @ st1_w.T + st1_b) @ st2_w.T + st2_b
    se = jax.nn.relu(out @ se1_w.T + se1_b) @ se2_w.T + se2_b
    fu = jax.nn.relu(out @ fu1_w.T + fu1_b) @ fu2_w.T + fu2_b
    ae = jax.nn.relu(out @ ae1_w.T + ae1_b) @ ae2_w.T + ae2_b
    return (st, se, fu, ae)

if __name__ == "__main__":
    import jax
    _d = setup_inputs()
    print(jax.jit(kernel)(*tuple(_d.values())))

</pallas_src>

<mosaic_0001>
#map = affine_map<(d0, d1) -> (0, 0)>
#map1 = affine_map<(d0, d1) -> (0)>
#map2 = affine_map<(d0, d1) -> (0, 0, 0)>
module attributes {stable_mosaic.version = 14 : i64} {
  func.func @_scatter_body(%arg0: i32, %arg1: i32, %arg2: memref<10000x128xf32, #tpu.memory_space<hbm>>, %arg3: memref<643072xi32, #tpu.memory_space<hbm>>, %arg4: memref<643072xi32, #tpu.memory_space<hbm>>, %arg5: memref<10112x128xf32, #tpu.memory_space<hbm>>, %arg6: memref<2x10112x128xf32, #tpu.memory_space<hbm>>, %arg7: memref<128xi32, #tpu.memory_space<vmem>>, %arg8: memref<128xi32, #tpu.memory_space<vmem>>, %arg9: memref<128x128xf32, #tpu.memory_space<vmem>>, %arg10: memref<10112x128xf32, #tpu.memory_space<vmem_shared>>, %arg11: memref<!tpu.dma_semaphore, #tpu.memory_space<semaphore_mem>>, %arg12: memref<!tpu.dma_semaphore, #tpu.memory_space<semaphore_mem>>, %arg13: memref<!tpu.dma_semaphore, #tpu.memory_space<semaphore_mem>>) attributes {dimension_semantics = [#tpu.dimension_semantics<core_parallel>, #tpu.dimension_semantics<subcore_parallel>], iteration_bounds = array<i64: 2, 16>, scalar_prefetch = 0 : i64, scratch_operands = 7 : i64, tpu.core_type = #tpu.core_type<sc_vector_subcore>, window_params = [{transform_indices = #map}, {transform_indices = #map1}, {transform_indices = #map1}, {transform_indices = #map}, {transform_indices = #map2}]} {
    %mul3A = arith.constant 2 : i32
    %mul3A_0 = arith.muli %arg1, %mul3A : i32
    %add3A = arith.addi %mul3A_0, %arg0 : i32
    %mul3A_1 = arith.constant 632 : i32
    %mul3A_2 = arith.muli %arg1, %mul3A_1 : i32
    "tpu.region"() ({
      %run_scoped3A = tpu.sem_alloc : memref<!tpu.dma_semaphore, #tpu.memory_space<semaphore_mem>>
      %dma_start3A = arith.constant 0 : i32
      %dma_start3A_11 = tpu.memref_slice %arg10[%mul3A_2, %dma_start3A] : memref<10112x128xf32, #tpu.memory_space<vmem_shared>> -> memref<632x128xf32, #tpu.memory_space<vmem_shared>>
      %dma_start3A_12 = arith.constant 0 : i32
      %dma_start3A_13 = tpu.memref_slice %arg5[%mul3A_2, %dma_start3A_12] : memref<10112x128xf32, #tpu.memory_space<hbm>> -> memref<632x128xf32, #tpu.memory_space<hbm>>
      tpu.enqueue_dma source(%dma_start3A_13 : memref<632x128xf32, #tpu.memory_space<hbm>>) target(%dma_start3A_11 : memref<632x128xf32, #tpu.memory_space<vmem_shared>>) target_semaphore(%run_scoped3A : memref<!tpu.dma_semaphore, #tpu.memory_space<semaphore_mem>>)
      %dma_wait3A = arith.constant 0 : i32
      %dma_wait3A_14 = tpu.memref_slice %arg10[%mul3A_2, %dma_wait3A] : memref<10112x128xf32, #tpu.memory_space<vmem_shared>> -> memref<632x128xf32, #tpu.memory_space<vmem_shared>>
      %dma_wait3A_15 = arith.constant 0 : i32
      %dma_wait3A_16 = tpu.memref_slice %arg5[%mul3A_2, %dma_wait3A_15] : memref<10112x128xf32, #tpu.memory_space<hbm>> -> memref<632x128xf32, #tpu.memory_space<hbm>>
      tpu.wait_dma2 semaphore(%run_scoped3A : memref<!tpu.dma_semaphore, #tpu.memory_space<semaphore_mem>>) src(%dma_wait3A_16 : memref<632x128xf32, #tpu.memory_space<hbm>>) dst(%dma_wait3A_14 : memref<632x128xf32, #tpu.memory_space<vmem_shared>>)
      tpu.yield
    }) : () -> ()
    %barrier3A = arith.constant 0 : index
    tpu.barrier barrier_id(%barrier3A)
    %mul3A_3 = arith.constant 20096 : i32
    %mul3A_4 = arith.muli %add3A, %mul3A_3 : i32
    "tpu.region"() ({
      %run_scoped3A = tpu.sem_alloc : memref<!tpu.dma_semaphore, #tpu.memory_space<semaphore_mem>>
      %dma_start3A = tpu.memref_slice %arg3[%mul3A_4] : memref<643072xi32, #tpu.memory_space<hbm>> -> memref<128xi32, #tpu.memory_space<hbm>>
      %dma_start3A_11 = tpu.memref_slice %arg3[%mul3A_4] : memref<643072xi32, #tpu.memory_space<hbm>> -> memref<128xi32, #tpu.memory_space<hbm>>
      tpu.enqueue_dma source(%dma_start3A_11 : memref<128xi32, #tpu.memory_space<hbm>>) target(%arg7 : memref<128xi32, #tpu.memory_space<vmem>>) target_semaphore(%run_scoped3A : memref<!tpu.dma_semaphore, #tpu.memory_space<semaphore_mem>>)
      %dma_wait3A = tpu.memref_slice %arg3[%mul3A_4] : memref<643072xi32, #tpu.memory_space<hbm>> -> memref<128xi32, #tpu.memory_space<hbm>>
      %dma_wait3A_12 = tpu.memref_slice %arg3[%mul3A_4] : memref<643072xi32, #tpu.memory_space<hbm>> -> memref<128xi32, #tpu.memory_space<hbm>>
      tpu.wait_dma2 semaphore(%run_scoped3A : memref<!tpu.dma_semaphore, #tpu.memory_space<semaphore_mem>>) src(%dma_wait3A_12 : memref<128xi32, #tpu.memory_space<hbm>>) dst(%arg7 : memref<128xi32, #tpu.memory_space<vmem>>)
      tpu.yield
    }) : () -> ()
    %scan3A = arith.constant 0 : i32
    %scan3A_5 = arith.constant 0 : i32
    %scan3A_6 = arith.constant 157 : i32
    %scan3A_7 = arith.addi %scan3A_5, %scan3A_6 : i32
    %scan3A_8 = arith.constant 1 : i32
    scf.for %scan3A_11 = %scan3A_5 to %scan3A_7 step %scan3A_8  : i32 {
      %mul3A_12 = arith.constant 128 : i32
      %mul3A_13 = arith.muli %scan3A_11, %mul3A_12 : i32
      %add3A_14 = arith.addi %mul3A_4, %mul3A_13 : i32
      %dma_start3A = tpu.memref_slice %arg4[%add3A_14] : memref<643072xi32, #tpu.memory_space<hbm>> -> memref<128xi32, #tpu.memory_space<hbm>>
      %dma_start3A_15 = tpu.memref_slice %arg4[%add3A_14] : memref<643072xi32, #tpu.memory_space<hbm>> -> memref<128xi32, #tpu.memory_space<hbm>>
      tpu.enqueue_dma source(%dma_start3A_15 : memref<128xi32, #tpu.memory_space<hbm>>) target(%arg8 : memref<128xi32, #tpu.memory_space<vmem>>) target_semaphore(%arg11 : memref<!tpu.dma_semaphore, #tpu.memory_space<semaphore_mem>>)
      %dma_start3A_16 = arith.constant 0 : i32
      %dma_start3A_17 = arith.constant 0 : i32
      %dma_start3A_18 = tpu.memref_slice %arg2[%dma_start3A_16, %dma_start3A_17] : memref<10000x128xf32, #tpu.memory_space<hbm>> -> memref<10000x128xf32, #tpu.memory_space<hbm>>
      tpu.enqueue_indirect_dma source(%dma_start3A_18 : memref<10000x128xf32, #tpu.memory_space<hbm>>) target(%arg9 : memref<128x128xf32, #tpu.memory_space<vmem>>) offsets(%arg7 : memref<128xi32, #tpu.memory_space<vmem>>) semaphore(%arg12 : memref<!tpu.dma_semaphore, #tpu.memory_space<semaphore_mem>>)
      %dma_wait3A = arith.constant 0 : i32
      %dma_wait3A_19 = arith.constant 0 : i32
      %dma_wait3A_20 = tpu.memref_slice %arg2[%dma_wait3A, %dma_wait3A_19] : memref<10000x128xf32, #tpu.memory_space<hbm>> -> memref<10000x128xf32, #tpu.memory_space<hbm>>
      tpu.wait_indirect_dma semaphore(%arg12 : memref<!tpu.dma_semaphore, #tpu.memory_space<semaphore_mem>>) src(%dma_wait3A_20 : memref<10000x128xf32, #tpu.memory_space<hbm>>) dst(%arg9 : memref<128x128xf32, #tpu.memory_space<vmem>>)
      %add3A_21 = arith.constant 1 : i32
      %add3A_22 = arith.addi %scan3A_11, %add3A_21 : i32
      %min3A = arith.constant 156 : i32
      %min3A_23 = arith.minsi %add3A_22, %min3A : i32
      %mul3A_24 = arith.constant 128 : i32
      %mul3A_25 = arith.muli %min3A_23, %mul3A_24 : i32
      %add3A_26 = arith.addi %mul3A_4, %mul3A_25 : i32
      %dma_start3A_27 = tpu.memref_slice %arg3[%add3A_26] : memref<643072xi32, #tpu.memory_space<hbm>> -> memref<128xi32, #tpu.memory_space<hbm>>
      %dma_start3A_28 = tpu.memref_slice %arg3[%add3A_26] : memref<643072xi32, #tpu.memory_space<hbm>> -> memref<128xi32, #tpu.memory_space<hbm>>
      tpu.enqueue_dma source(%dma_start3A_28 : memref<128xi32, #tpu.memory_space<hbm>>) target(%arg7 : memref<128xi32, #tpu.memory_space<vmem>>) target_semaphore(%arg13 : memref<!tpu.dma_semaphore, #tpu.memory_space<semaphore_mem>>)
      %dma_wait3A_29 = tpu.memref_slice %arg4[%add3A_14] : memref<643072xi32, #tpu.memory_space<hbm>> -> memref<128xi32, #tpu.memory_space<hbm>>
      %dma_wait3A_30 = tpu.memref_slice %arg4[%add3A_14] : memref<643072xi32, #tpu.memory_space<hbm>> -> memref<128xi32, #tpu.memory_space<hbm>>
      tpu.wait_dma2 semaphore(%arg11 : memref<!tpu.dma_semaphore, #tpu.memory_space<semaphore_mem>>) src(%dma_wait3A_30 : memref<128xi32, #tpu.memory_space<hbm>>) dst(%arg8 : memref<128xi32, #tpu.memory_space<vmem>>)
      "tpu.region"() ({
        %run_scoped3A = tpu.sem_alloc : memref<!tpu.dma_semaphore, #tpu.memory_space<semaphore_mem>>
        %dma_start3A_33 = arith.constant 0 : i32
        %dma_start3A_34 = arith.constant 0 : i32
        %dma_start3A_35 = tpu.memref_slice %arg10[%dma_start3A_33, %dma_start3A_34] : memref<10112x128xf32, #tpu.memory_space<vmem_shared>> -> memref<10112x128xf32, #tpu.memory_space<vmem_shared>>
        tpu.enqueue_indirect_dma source(%arg9 : memref<128x128xf32, #tpu.memory_space<vmem>>) target(%dma_start3A_35 : memref<10112x128xf32, #tpu.memory_space<vmem_shared>>) offsets(%arg8 : memref<128xi32, #tpu.memory_space<vmem>>) semaphore(%run_scoped3A : memref<!tpu.dma_semaphore, #tpu.memory_space<semaphore_mem>>) {add = true}
        %dma_wait3A_36 = arith.constant 0 : i32
        %dma_wait3A_37 = arith.constant 0 : i32
        %dma_wait3A_38 = tpu.memref_slice %arg10[%dma_wait3A_36, %dma_wait3A_37] : memref<10112x128xf32, #tpu.memory_space<vmem_shared>> -> memref<10112x128xf32, #tpu.memory_space<vmem_shared>>
        tpu.wait_indirect_dma semaphore(%run_scoped3A : memref<!tpu.dma_semaphore, #tpu.memory_space<semaphore_mem>>) src(%arg9 : memref<128x128xf32, #tpu.memory_space<vmem>>) dst(%dma_wait3A_38 : memref<10112x128xf32, #tpu.memory_space<vmem_shared>>)
        tpu.yield
      }) : () -> ()
      %dma_wait3A_31 = tpu.memref_slice %arg3[%mul3A_4] : memref<643072xi32, #tpu.memory_space<hbm>> -> memref<128xi32, #tpu.memory_space<hbm>>
      %dma_wait3A_32 = tpu.memref_slice %arg3[%mul3A_4] : memref<643072xi32, #tpu.memory_space<hbm>> -> memref<128xi32, #tpu.memory_space<hbm>>
      tpu.wait_dma2 semaphore(%arg13 : memref<!tpu.dma_semaphore, #tpu.memory_space<semaphore_mem>>) src(%dma_wait3A_32 : memref<128xi32, #tpu.memory_space<hbm>>) dst(%arg7 : memref<128xi32, #tpu.memory_space<vmem>>)
    }
    %scan3A_9 = arith.constant 157 : i32
    %barrier3A_10 = arith.constant 0 : index
    tpu.barrier barrier_id(%barrier3A_10)
    "tpu.region"() ({
      %run_scoped3A = tpu.sem_alloc : memref<!tpu.dma_semaphore, #tpu.memory_space<semaphore_mem>>
      %dma_start3A = arith.constant 0 : i32
      %dma_start3A_11 = tpu.memref_slice %arg6[%arg0, %mul3A_2, %dma_start3A] : memref<2x10112x128xf32, #tpu.memory_space<hbm>> -> memref<1x632x128xf32, #tpu.memory_space<hbm>>
      %dma_start3A_12 = tpu.memref_squeeze %dma_start3A_11 : memref<1x632x128xf32, #tpu.memory_space<hbm>> -> memref<632x128xf32, #tpu.memory_space<hbm>>
      %dma_start3A_13 = arith.constant 0 : i32
      %dma_start3A_14 = tpu.memref_slice %arg10[%mul3A_2, %dma_start3A_13] : memref<10112x128xf32, #tpu.memory_space<vmem_shared>> -> memref<632x128xf32, #tpu.memory_space<vmem_shared>>
      tpu.enqueue_dma source(%dma_start3A_14 : memref<632x128xf32, #tpu.memory_space<vmem_shared>>) target(%dma_start3A_12 : memref<632x128xf32, #tpu.memory_space<hbm>>) target_semaphore(%run_scoped3A : memref<!tpu.dma_semaphore, #tpu.memory_space<semaphore_mem>>)
      %dma_wait3A = arith.constant 0 : i32
      %dma_wait3A_15 = tpu.memref_slice %arg6[%arg0, %mul3A_2, %dma_wait3A] : memref<2x10112x128xf32, #tpu.memory_space<hbm>> -> memref<1x632x128xf32, #tpu.memory_space<hbm>>
      %dma_wait3A_16 = tpu.memref_squeeze %dma_wait3A_15 : memref<1x632x128xf32, #tpu.memory_space<hbm>> -> memref<632x128xf32, #tpu.memory_space<hbm>>
      %dma_wait3A_17 = arith.constant 0 : i32
      %dma_wait3A_18 = tpu.memref_slice %arg10[%mul3A_2, %dma_wait3A_17] : memref<10112x128xf32, #tpu.memory_space<vmem_shared>> -> memref<632x128xf32, #tpu.memory_space<vmem_shared>>
      tpu.wait_dma2 semaphore(%run_scoped3A : memref<!tpu.dma_semaphore, #tpu.memory_space<semaphore_mem>>) src(%dma_wait3A_18 : memref<632x128xf32, #tpu.memory_space<vmem_shared>>) dst(%dma_wait3A_16 : memref<632x128xf32, #tpu.memory_space<hbm>>)
      tpu.yield
    }) : () -> ()
    return
  }
}

#map = affine_map<(d0, d1) -> (0, 0)>
#map1 = affine_map<(d0, d1) -> (0)>
#map2 = affine_map<(d0, d1) -> (0, 0, 0)>
module attributes {stable_mosaic.version = 14 : i64} {
  func.func @_scatter_body(%arg0: i32, %arg1: i32, %arg2: memref<10000x128xf32, #tpu.memory_space<hbm>>, %arg3: memref<643072xi32, #tpu.memory_space<hbm>>, %arg4: memref<643072xi32, #tpu.memory_space<hbm>>, %arg5: memref<10112x128xf32, #tpu.memory_space<hbm>>, %arg6: memref<2x10112x128xf32, #tpu.memory_space<hbm>>, %arg7: memref<128xi32, #tpu.memory_space<vmem>>, %arg8: memref<128xi32, #tpu.memory_space<vmem>>, %arg9: memref<128x128xf32, #tpu.memory_space<vmem>>, %arg10: memref<10112x128xf32, #tpu.memory_space<vmem_shared>>, %arg11: memref<!tpu.dma_semaphore, #tpu.memory_space<semaphore_mem>>, %arg12: memref<!tpu.dma_semaphore, #tpu.memory_space<semaphore_mem>>, %arg13: memref<!tpu.dma_semaphore, #tpu.memory_space<semaphore_mem>>) attributes {dimension_semantics = [#tpu.dimension_semantics<core_parallel>, #tpu.dimension_semantics<subcore_parallel>], iteration_bounds = array<i64: 2, 16>, scalar_prefetch = 0 : i64, scratch_operands = 7 : i64, tpu.core_type = #tpu.core_type<sc_vector_subcore>, window_params = [{transform_indices = #map}, {transform_indices = #map1}, {transform_indices = #map1}, {transform_indices = #map}, {transform_indices = #map2}]} {
    %mul3A = arith.constant 2 : i32
    %mul3A_0 = arith.muli %arg1, %mul3A : i32
    %add3A = arith.addi %mul3A_0, %arg0 : i32
    %mul3A_1 = arith.constant 632 : i32
    %mul3A_2 = arith.muli %arg1, %mul3A_1 : i32
    "tpu.region"() ({
      %run_scoped3A = tpu.sem_alloc : memref<!tpu.dma_semaphore, #tpu.memory_space<semaphore_mem>>
      %dma_start3A = arith.constant 0 : i32
      %dma_start3A_11 = tpu.memref_slice %arg10[%mul3A_2, %dma_start3A] : memref<10112x128xf32, #tpu.memory_space<vmem_shared>> -> memref<632x128xf32, #tpu.memory_space<vmem_shared>>
      %dma_start3A_12 = arith.constant 0 : i32
      %dma_start3A_13 = tpu.memref_slice %arg5[%mul3A_2, %dma_start3A_12] : memref<10112x128xf32, #tpu.memory_space<hbm>> -> memref<632x128xf32, #tpu.memory_space<hbm>>
      tpu.enqueue_dma source(%dma_start3A_13 : memref<632x128xf32, #tpu.memory_space<hbm>>) target(%dma_start3A_11 : memref<632x128xf32, #tpu.memory_space<vmem_shared>>) target_semaphore(%run_scoped3A : memref<!tpu.dma_semaphore, #tpu.memory_space<semaphore_mem>>)
      %dma_wait3A = arith.constant 0 : i32
      %dma_wait3A_14 = tpu.memref_slice %arg10[%mul3A_2, %dma_wait3A] : memref<10112x128xf32, #tpu.memory_space<vmem_shared>> -> memref<632x128xf32, #tpu.memory_space<vmem_shared>>
      %dma_wait3A_15 = arith.constant 0 : i32
      %dma_wait3A_16 = tpu.memref_slice %arg5[%mul3A_2, %dma_wait3A_15] : memref<10112x128xf32, #tpu.memory_space<hbm>> -> memref<632x128xf32, #tpu.memory_space<hbm>>
      tpu.wait_dma2 semaphore(%run_scoped3A : memref<!tpu.dma_semaphore, #tpu.memory_space<semaphore_mem>>) src(%dma_wait3A_16 : memref<632x128xf32, #tpu.memory_space<hbm>>) dst(%dma_wait3A_14 : memref<632x128xf32, #tpu.memory_space<vmem_shared>>)
      tpu.yield
    }) : () -> ()
    %barrier3A = arith.constant 0 : index
    tpu.barrier barrier_id(%barrier3A)
    %mul3A_3 = arith.constant 20096 : i32
    %mul3A_4 = arith.muli %add3A, %mul3A_3 : i32
    "tpu.region"() ({
      %run_scoped3A = tpu.sem_alloc : memref<!tpu.dma_semaphore, #tpu.memory_space<semaphore_mem>>
      %dma_start3A = tpu.memref_slice %arg3[%mul3A_4] : memref<643072xi32, #tpu.memory_space<hbm>> -> memref<128xi32, #tpu.memory_space<hbm>>
      %dma_start3A_11 = tpu.memref_slice %arg3[%mul3A_4] : memref<643072xi32, #tpu.memory_space<hbm>> -> memref<128xi32, #tpu.memory_space<hbm>>
      tpu.enqueue_dma source(%dma_start3A_11 : memref<128xi32, #tpu.memory_space<hbm>>) target(%arg7 : memref<128xi32, #tpu.memory_space<vmem>>) target_semaphore(%run_scoped3A : memref<!tpu.dma_semaphore, #tpu.memory_space<semaphore_mem>>)
      %dma_wait3A = tpu.memref_slice %arg3[%mul3A_4] : memref<643072xi32, #tpu.memory_space<hbm>> -> memref<128xi32, #tpu.memory_space<hbm>>
      %dma_wait3A_12 = tpu.memref_slice %arg3[%mul3A_4] : memref<643072xi32, #tpu.memory_space<hbm>> -> memref<128xi32, #tpu.memory_space<hbm>>
      tpu.wait_dma2 semaphore(%run_scoped3A : memref<!tpu.dma_semaphore, #tpu.memory_space<semaphore_mem>>) src(%dma_wait3A_12 : memref<128xi32, #tpu.memory_space<hbm>>) dst(%arg7 : memref<128xi32, #tpu.memory_space<vmem>>)
      tpu.yield
    }) : () -> ()
    %scan3A = arith.constant 0 : i32
    %scan3A_5 = arith.constant 0 : i32
    %scan3A_6 = arith.constant 157 : i32
    %scan3A_7 = arith.addi %scan3A_5, %scan3A_6 : i32
    %scan3A_8 = arith.constant 1 : i32
    scf.for %scan3A_11 = %scan3A_5 to %scan3A_7 step %scan3A_8  : i32 {
      %mul3A_12 = arith.constant 128 : i32
      %mul3A_13 = arith.muli %scan3A_11, %mul3A_12 : i32
      %add3A_14 = arith.addi %mul3A_4, %mul3A_13 : i32
      %dma_start3A = tpu.memref_slice %arg4[%add3A_14] : memref<643072xi32, #tpu.memory_space<hbm>> -> memref<128xi32, #tpu.memory_space<hbm>>
      %dma_start3A_15 = tpu.memref_slice %arg4[%add3A_14] : memref<643072xi32, #tpu.memory_space<hbm>> -> memref<128xi32, #tpu.memory_space<hbm>>
      tpu.enqueue_dma source(%dma_start3A_15 : memref<128xi32, #tpu.memory_space<hbm>>) target(%arg8 : memref<128xi32, #tpu.memory_space<vmem>>) target_semaphore(%arg11 : memref<!tpu.dma_semaphore, #tpu.memory_space<semaphore_mem>>)
      %dma_start3A_16 = arith.constant 0 : i32
      %dma_start3A_17 = arith.constant 0 : i32
      %dma_start3A_18 = tpu.memref_slice %arg2[%dma_start3A_16, %dma_start3A_17] : memref<10000x128xf32, #tpu.memory_space<hbm>> -> memref<10000x128xf32, #tpu.memory_space<hbm>>
      tpu.enqueue_indirect_dma source(%dma_start3A_18 : memref<10000x128xf32, #tpu.memory_space<hbm>>) target(%arg9 : memref<128x128xf32, #tpu.memory_space<vmem>>) offsets(%arg7 : memref<128xi32, #tpu.memory_space<vmem>>) semaphore(%arg12 : memref<!tpu.dma_semaphore, #tpu.memory_space<semaphore_mem>>)
      %dma_wait3A = arith.constant 0 : i32
      %dma_wait3A_19 = arith.constant 0 : i32
      %dma_wait3A_20 = tpu.memref_slice %arg2[%dma_wait3A, %dma_wait3A_19] : memref<10000x128xf32, #tpu.memory_space<hbm>> -> memref<10000x128xf32, #tpu.memory_space<hbm>>
      tpu.wait_indirect_dma semaphore(%arg12 : memref<!tpu.dma_semaphore, #tpu.memory_space<semaphore_mem>>) src(%dma_wait3A_20 : memref<10000x128xf32, #tpu.memory_space<hbm>>) dst(%arg9 : memref<128x128xf32, #tpu.memory_space<vmem>>)
      %add3A_21 = arith.constant 1 : i32
      %add3A_22 = arith.addi %scan3A_11, %add3A_21 : i32
      %min3A = arith.constant 156 : i32
      %min3A_23 = arith.minsi %add3A_22, %min3A : i32
      %mul3A_24 = arith.constant 128 : i32
      %mul3A_25 = arith.muli %min3A_23, %mul3A_24 : i32
      %add3A_26 = arith.addi %mul3A_4, %mul3A_25 : i32
      %dma_start3A_27 = tpu.memref_slice %arg3[%add3A_26] : memref<643072xi32, #tpu.memory_space<hbm>> -> memref<128xi32, #tpu.memory_space<hbm>>
      %dma_start3A_28 = tpu.memref_slice %arg3[%add3A_26] : memref<643072xi32, #tpu.memory_space<hbm>> -> memref<128xi32, #tpu.memory_space<hbm>>
      tpu.enqueue_dma source(%dma_start3A_28 : memref<128xi32, #tpu.memory_space<hbm>>) target(%arg7 : memref<128xi32, #tpu.memory_space<vmem>>) target_semaphore(%arg13 : memref<!tpu.dma_semaphore, #tpu.memory_space<semaphore_mem>>)
      %dma_wait3A_29 = tpu.memref_slice %arg4[%add3A_14] : memref<643072xi32, #tpu.memory_space<hbm>> -> memref<128xi32, #tpu.memory_space<hbm>>
      %dma_wait3A_30 = tpu.memref_slice %arg4[%add3A_14] : memref<643072xi32, #tpu.memory_space<hbm>> -> memref<128xi32, #tpu.memory_space<hbm>>
      tpu.wait_dma2 semaphore(%arg11 : memref<!tpu.dma_semaphore, #tpu.memory_space<semaphore_mem>>) src(%dma_wait3A_30 : memref<128xi32, #tpu.memory_space<hbm>>) dst(%arg8 : memref<128xi32, #tpu.memory_space<vmem>>)
      "tpu.region"() ({
        %run_scoped3A = tpu.sem_alloc : memref<!tpu.dma_semaphore, #tpu.memory_space<semaphore_mem>>
        %dma_start3A_33 = arith.constant 0 : i32
        %dma_start3A_34 = arith.constant 0 : i32
        %dma_start3A_35 = tpu.memref_slice %arg10[%dma_start3A_33, %dma_start3A_34] : memref<10112x128xf32, #tpu.memory_space<vmem_shared>> -> memref<10112x128xf32, #tpu.memory_space<vmem_shared>>
        tpu.enqueue_indirect_dma source(%arg9 : memref<128x128xf32, #tpu.memory_space<vmem>>) target(%dma_start3A_35 : memref<10112x128xf32, #tpu.memory_space<vmem_shared>>) offsets(%arg8 : memref<128xi32, #tpu.memory_space<vmem>>) semaphore(%run_scoped3A : memref<!tpu.dma_semaphore, #tpu.memory_space<semaphore_mem>>) {add = true}
        %dma_wait3A_36 = arith.constant 0 : i32
        %dma_wait3A_37 = arith.constant 0 : i32
        %dma_wait3A_38 = tpu.memref_slice %arg10[%dma_wait3A_36, %dma_wait3A_37] : memref<10112x128xf32, #tpu.memory_space<vmem_shared>> -> memref<10112x128xf32, #tpu.memory_space<vmem_shared>>
        tpu.wait_indirect_dma semaphore(%run_scoped3A : memref<!tpu.dma_semaphore, #tpu.memory_space<semaphore_mem>>) src(%arg9 : memref<128x128xf32, #tpu.memory_space<vmem>>) dst(%dma_wait3A_38 : memref<10112x128xf32, #tpu.memory_space<vmem_shared>>)
        tpu.yield
      }) : () -> ()
      %dma_wait3A_31 = tpu.memref_slice %arg3[%mul3A_4] : memref<643072xi32, #tpu.memory_space<hbm>> -> memref<128xi32, #tpu.memory_space<hbm>>
      %dma_wait3A_32 = tpu.memref_slice %arg3[%mul3A_4] : memref<643072xi32, #tpu.memory_space<hbm>> -> memref<128xi32, #tpu.memory_space<hbm>>
      tpu.wait_dma2 semaphore(%arg13 : memref<!tpu.dma_semaphore, #tpu.memory_space<semaphore_mem>>) src(%dma_wait3A_32 : memref<128xi32, #tpu.memory_space<hbm>>) dst(%arg7 : memref<128xi32, #tpu.memory_space<vmem>>)
    }
    %scan3A_9 = arith.constant 157 : i32
    %barrier3A_10 = arith.constant 0 : index
    tpu.barrier barrier_id(%barrier3A_10)
    "tpu.region"() ({
      %run_scoped3A = tpu.sem_alloc : memref<!tpu.dma_semaphore, #tpu.memory_space<semaphore_mem>>
      %dma_start3A = arith.constant 0 : i32
      %dma_start3A_11 = tpu.memref_slice %arg6[%arg0, %mul3A_2, %dma_start3A] : memref<2x10112x128xf32, #tpu.memory_space<hbm>> -> memref<1x632x128xf32, #tpu.memory_space<hbm>>
      %dma_start3A_12 = tpu.memref_squeeze %dma_start3A_11 : memref<1x632x128xf32, #tpu.memory_space<hbm>> -> memref<632x128xf32, #tpu.memory_space<hbm>>
      %dma_start3A_13 = arith.constant 0 : i32
      %dma_start3A_14 = tpu.memref_slice %arg10[%mul3A_2, %dma_start3A_13] : memref<10112x128xf32, #tpu.memory_space<vmem_shared>> -> memref<632x128xf32, #tpu.memory_space<vmem_shared>>
      tpu.enqueue_dma source(%dma_start3A_14 : memref<632x128xf32, #tpu.memory_space<vmem_shared>>) target(%dma_start3A_12 : memref<632x128xf32, #tpu.memory_space<hbm>>) target_semaphore(%run_scoped3A : memref<!tpu.dma_semaphore, #tpu.memory_space<semaphore_mem>>)
      %dma_wait3A = arith.constant 0 : i32
      %dma_wait3A_15 = tpu.memref_slice %arg6[%arg0, %mul3A_2, %dma_wait3A] : memref<2x10112x128xf32, #tpu.memory_space<hbm>> -> memref<1x632x128xf32, #tpu.memory_space<hbm>>
      %dma_wait3A_16 = tpu.memref_squeeze %dma_wait3A_15 : memref<1x632x128xf32, #tpu.memory_space<hbm>> -> memref<632x128xf32, #tpu.memory_space<hbm>>
      %dma_wait3A_17 = arith.constant 0 : i32
      %dma_wait3A_18 = tpu.memref_slice %arg10[%mul3A_2, %dma_wait3A_17] : memref<10112x128xf32, #tpu.memory_space<vmem_shared>> -> memref<632x128xf32, #tpu.memory_space<vmem_shared>>
      tpu.wait_dma2 semaphore(%run_scoped3A : memref<!tpu.dma_semaphore, #tpu.memory_space<semaphore_mem>>) src(%dma_wait3A_18 : memref<632x128xf32, #tpu.memory_space<vmem_shared>>) dst(%dma_wait3A_16 : memref<632x128xf32, #tpu.memory_space<hbm>>)
      tpu.yield
    }) : () -> ()
    return
  }
}

module attributes {stable_mosaic.version = 14 : i64} {
  func.func @_dense2_body(%arg0: i32, %arg1: memref<1000x128xf32, #tpu.memory_space<vmem>>, %arg2: memref<128x128xf32, #tpu.memory_space<vmem>>, %arg3: memref<1x128xf32, #tpu.memory_space<vmem>>, %arg4: memref<128x128xf32, #tpu.memory_space<vmem>>, %arg5: memref<1x128xf32, #tpu.memory_space<vmem>>, %arg6: memref<1000x128xf32, #tpu.memory_space<vmem>>, %arg7: memref<1000x128xf32, #tpu.memory_space<vmem>>) attributes {dimension_semantics = [#tpu.dimension_semantics<arbitrary>], iteration_bounds = array<i64: 10>, scalar_prefetch = 0 : i64, scratch_operands = 0 : i64, tpu.core_type = #tpu.core_type<tc>, window_params = [{transform_indices = @transform_0, window_bounds = array<i64: 1000, 128>}, {pipeline_mode = #tpu.pipeline_mode<synchronous>, transform_indices = @transform_1, window_bounds = array<i64: 128, 128>}, {pipeline_mode = #tpu.pipeline_mode<synchronous>, transform_indices = @transform_2, window_bounds = array<i64: 1, 128>}, {pipeline_mode = #tpu.pipeline_mode<synchronous>, transform_indices = @transform_3, window_bounds = array<i64: 128, 128>}, {pipeline_mode = #tpu.pipeline_mode<synchronous>, transform_indices = @transform_4, window_bounds = array<i64: 1, 128>}, {transform_indices = @transform_5, window_bounds = array<i64: 1000, 128>}, {transform_indices = @transform_6, window_bounds = array<i64: 1000, 128>}]} {
    %get3A = arith.constant 0 : index
    %get3A_0 = arith.constant 0 : index
    %get3A_1 = vector.load %arg1[%get3A, %get3A_0] : memref<1000x128xf32, #tpu.memory_space<vmem>>, vector<1000x128xf32>
    %get3A_2 = arith.constant 0 : index
    %get3A_3 = arith.constant 0 : index
    %get3A_4 = vector.load %arg2[%get3A_2, %get3A_3] : memref<128x128xf32, #tpu.memory_space<vmem>>, vector<128x128xf32>
    %dot_general3A = arith.constant dense<0.000000e+00> : vector<1000x128xf32>
    %dot_general3A_5 = tpu.matmul %get3A_1, %get3A_4, %dot_general3A {dimension_numbers = #tpu.dot_dimension_numbers<[1], [1], [0], [0], [0, 0, 1, 0], [], []>, transpose_lhs_hint = false} : vector<1000x128xf32>, vector<128x128xf32>, vector<1000x128xf32> -> vector<1000x128xf32>
    %get3A_6 = arith.constant 0 : index
    %get3A_7 = arith.constant 0 : index
    %get3A_8 = vector.load %arg3[%get3A_6, %get3A_7] : memref<1x128xf32, #tpu.memory_space<vmem>>, vector<1x128xf32>
    %add3A = vector.broadcast %get3A_8 : vector<1x128xf32> to vector<1000x128xf32>
    %add3A_9 = arith.addf %dot_general3A_5, %add3A : vector<1000x128xf32>
    %swap3A = arith.constant 0 : index
    %swap3A_10 = arith.constant 0 : index
    %swap3A_11 = vector.load %arg6[%swap3A, %swap3A_10] : memref<1000x128xf32, #tpu.memory_space<vmem>>, vector<1000x128xf32>
    tpu.vector_store %arg6[%swap3A, %swap3A_10], %add3A_9 {strides = array<i32>} : memref<1000x128xf32, #tpu.memory_space<vmem>>, vector<1000x128xf32>,
    %get3A_12 = arith.constant 0 : index
    %get3A_13 = arith.constant 0 : index
    %get3A_14 = vector.load %arg4[%get3A_12, %get3A_13] : memref<128x128xf32, #tpu.memory_space<vmem>>, vector<128x128xf32>
    %dot_general3A_15 = arith.constant dense<0.000000e+00> : vector<1000x128xf32>
    %dot_general3A_16 = tpu.matmul %get3A_1, %get3A_14, %dot_general3A_15 {dimension_numbers = #tpu.dot_dimension_numbers<[1], [1], [0], [0], [0, 0, 1, 0], [], []>, transpose_lhs_hint = false} : vector<1000x128xf32>, vector<128x128xf32>, vector<1000x128xf32> -> vector<1000x128xf32>
    %get3A_17 = arith.constant 0 : index
    %get3A_18 = arith.constant 0 : index
    %get3A_19 = vector.load %arg5[%get3A_17, %get3A_18] : memref<1x128xf32, #tpu.memory_space<vmem>>, vector<1x128xf32>
    %add3A_20 = vector.broadcast %get3A_19 : vector<1x128xf32> to vector<1000x128xf32>
    %add3A_21 = arith.addf %dot_general3A_16, %add3A_20 : vector<1000x128xf32>
    %swap3A_22 = arith.constant 0 : index
    %swap3A_23 = arith.constant 0 : index
    %swap3A_24 = vector.load %arg7[%swap3A_22, %swap3A_23] : memref<1000x128xf32, #tpu.memory_space<vmem>>, vector<1000x128xf32>
    tpu.vector_store %arg7[%swap3A_22, %swap3A_23], %add3A_21 {strides = array<i32>} : memref<1000x128xf32, #tpu.memory_space<vmem>>, vector<1000x128xf32>,
    return
  }
  func.func @transform_0(%arg0: i32) -> (i32, i32) {
    %c0_i32 = arith.constant 0 : i32
    %c0_i32_0 = arith.constant 0 : i32
    return %arg0, %c0_i32 : i32, i32
  }
  func.func @transform_1(%arg0: i32) -> (i32, i32) {
    %c0_i32 = arith.constant 0 : i32
    %c0_i32_0 = arith.constant 0 : i32
    %c0_i32_1 = arith.constant 0 : i32
    return %c0_i32, %c0_i32_0 : i32, i32
  }
  func.func @transform_2(%arg0: i32) -> (i32, i32) {
    %c0_i32 = arith.constant 0 : i32
    %c0_i32_0 = arith.constant 0 : i32
    %c0_i32_1 = arith.constant 0 : i32
    return %c0_i32, %c0_i32_0 : i32, i32
  }
  func.func @transform_3(%arg0: i32) -> (i32, i32) {
    %c0_i32 = arith.constant 0 : i32
    %c0_i32_0 = arith.constant 0 : i32
    %c0_i32_1 = arith.constant 0 : i32
    return %c0_i32, %c0_i32_0 : i32, i32
  }
  func.func @transform_4(%arg0: i32) -> (i32, i32) {
    %c0_i32 = arith.constant 0 : i32
    %c0_i32_0 = arith.constant 0 : i32
    %c0_i32_1 = arith.constant 0 : i32
    return %c0_i32, %c0_i32_0 : i32, i32
  }
  func.func @transform_5(%arg0: i32) -> (i32, i32) {
    %c0_i32 = arith.constant 0 : i32
    %c0_i32_0 = arith.constant 0 : i32
    return %arg0, %c0_i32 : i32, i32
  }
  func.func @transform_6(%arg0: i32) -> (i32, i32) {
    %c0_i32 = arith.constant 0 : i32
    %c0_i32_0 = arith.constant 0 : i32
    return %arg0, %c0_i32 : i32, i32
  }
}

module attributes {stable_mosaic.version = 14 : i64} {
  func.func @_combine_body(%arg0: i32, %arg1: memref<1000x128xf32, #tpu.memory_space<vmem>>, %arg2: memref<1x1000x128xf32, #tpu.memory_space<vmem>>, %arg3: memref<1x1000x128xf32, #tpu.memory_space<vmem>>, %arg4: memref<1000x128xf32, #tpu.memory_space<vmem>>, %arg5: memref<2x128xf32, #tpu.memory_space<vmem>>, %arg6: memref<2x128xf32, #tpu.memory_space<vmem>>) attributes {dimension_semantics = [#tpu.dimension_semantics<arbitrary>], iteration_bounds = array<i64: 10>, scalar_prefetch = 0 : i64, scratch_operands = 1 : i64, tpu.core_type = #tpu.core_type<tc>, window_params = [{transform_indices = @transform_0, window_bounds = array<i64: 1000, 128>}, {transform_indices = @transform_1, window_bounds = array<i64: 1, 1000, 128>}, {transform_indices = @transform_2, window_bounds = array<i64: 1, 1000, 128>}, {transform_indices = @transform_3, window_bounds = array<i64: 1000, 128>}, {pipeline_mode = #tpu.pipeline_mode<synchronous>, transform_indices = @transform_4, window_bounds = array<i64: 2, 128>}]} {
    %get3A = arith.constant 0 : index
    %get3A_0 = arith.constant 0 : index
    %get3A_1 = vector.load %arg1[%get3A, %get3A_0] : memref<1000x128xf32, #tpu.memory_space<vmem>>, vector<1000x128xf32>
    %get3A_2 = arith.constant 0 : index
    %get3A_3 = arith.constant 0 : index
    %get3A_4 = arith.constant 0 : index
    %get3A_5 = vector.load %arg2[%get3A_2, %get3A_3, %get3A_4] : memref<1x1000x128xf32, #tpu.memory_space<vmem>>, vector<1x1000x128xf32>
    %get3A_6 = vector.shape_cast %get3A_5 : vector<1x1000x128xf32> to vector<1000x128xf32>
    %add3A = arith.addf %get3A_1, %get3A_6 : vector<1000x128xf32>
    %get3A_7 = arith.constant 0 : index
    %get3A_8 = arith.constant 0 : index
    %get3A_9 = arith.constant 0 : index
    %get3A_10 = vector.load %arg3[%get3A_7, %get3A_8, %get3A_9] : memref<1x1000x128xf32, #tpu.memory_space<vmem>>, vector<1x1000x128xf32>
    %get3A_11 = vector.shape_cast %get3A_10 : vector<1x1000x128xf32> to vector<1000x128xf32>
    %add3A_12 = arith.addf %add3A, %get3A_11 : vector<1000x128xf32>
    %swap3A = arith.constant 0 : index
    %swap3A_13 = arith.constant 0 : index
    %swap3A_14 = vector.load %arg4[%swap3A, %swap3A_13] : memref<1000x128xf32, #tpu.memory_space<vmem>>, vector<1000x128xf32>
    tpu.vector_store %arg4[%swap3A, %swap3A_13], %add3A_12 {strides = array<i32>} : memref<1000x128xf32, #tpu.memory_space<vmem>>, vector<1000x128xf32>,
    %eq3A = arith.constant 0 : i32
    %eq3A_15 = arith.cmpi eq, %arg0, %eq3A : i32
    %convert_element_type3A = arith.extui %eq3A_15 : i1 to i32
    %cond3A = arith.constant 0 : i32
    %cond3A_16 = arith.cmpi ne, %convert_element_type3A, %cond3A : i32
    scf.if %cond3A_16 {
      %broadcast_in_dim3A_33 = arith.constant 0.000000e+00 : f32
      %broadcast_in_dim3A_34 = vector.broadcast %broadcast_in_dim3A_33 : f32 to vector<2x128xf32>
      %swap3A_35 = arith.constant 0 : index
      %swap3A_36 = arith.constant 0 : index
      %swap3A_37 = vector.load %arg6[%swap3A_35, %swap3A_36] : memref<2x128xf32, #tpu.memory_space<vmem>>, vector<2x128xf32>
      tpu.vector_store %arg6[%swap3A_35, %swap3A_36], %broadcast_in_dim3A_34 {strides = array<i32>} : memref<2x128xf32, #tpu.memory_space<vmem>>, vector<2x128xf32>,
    } else {
    }
    %reduce_sum3A = arith.constant dense<0.000000e+00> : vector<128xf32>
    %reduce_sum3A_17 = vector.multi_reduction <add>, %add3A_12, %reduce_sum3A [0] : vector<1000x128xf32> to vector<128xf32>
    %broadcast_in_dim3A = vector.shape_cast %reduce_sum3A_17 : vector<128xf32> to vector<1x128xf32>
    %mul3A = arith.mulf %add3A_12, %add3A_12 : vector<1000x128xf32>
    %reduce_sum3A_18 = arith.constant dense<0.000000e+00> : vector<128xf32>
    %reduce_sum3A_19 = vector.multi_reduction <add>, %mul3A, %reduce_sum3A_18 [0] : vector<1000x128xf32> to vector<128xf32>
    %broadcast_in_dim3A_20 = vector.shape_cast %reduce_sum3A_19 : vector<128xf32> to vector<1x128xf32>
    %get3A_21 = arith.constant 0 : index
    %get3A_22 = arith.constant 0 : index
    %get3A_23 = vector.load %arg6[%get3A_21, %get3A_22] : memref<2x128xf32, #tpu.memory_space<vmem>>, vector<2x128xf32>
    %concatenate3A = tpu.concatenate %broadcast_in_dim3A, %broadcast_in_dim3A_20 in 0 : vector<1x128xf32>, vector<1x128xf32> -> vector<2x128xf32>
    %add3A_24 = arith.addf %get3A_23, %concatenate3A : vector<2x128xf32>
    %swap3A_25 = arith.constant 0 : index
    %swap3A_26 = arith.constant 0 : index
    %swap3A_27 = vector.load %arg6[%swap3A_25, %swap3A_26] : memref<2x128xf32, #tpu.memory_space<vmem>>, vector<2x128xf32>
    tpu.vector_store %arg6[%swap3A_25, %swap3A_26], %add3A_24 {strides = array<i32>} : memref<2x128xf32, #tpu.memory_space<vmem>>, vector<2x128xf32>,
    %eq3A_28 = arith.constant 9 : i32
    %eq3A_29 = arith.cmpi eq, %arg0, %eq3A_28 : i32
    %convert_element_type3A_30 = arith.extui %eq3A_29 : i1 to i32
    %cond3A_31 = arith.constant 0 : i32
    %cond3A_32 = arith.cmpi ne, %convert_element_type3A_30, %cond3A_31 : i32
    scf.if %cond3A_32 {
      %get3A_33 = arith.constant 0 : index
      %get3A_34 = arith.constant 0 : index
      %get3A_35 = vector.load %arg6[%get3A_33, %get3A_34] : memref<2x128xf32, #tpu.memory_space<vmem>>, vector<2x128xf32>
      %swap3A_36 = arith.constant 0 : index
      %swap3A_37 = arith.constant 0 : index
      %swap3A_38 = vector.load %arg5[%swap3A_36, %swap3A_37] : memref<2x128xf32, #tpu.memory_space<vmem>>, vector<2x128xf32>
      tpu.vector_store %arg5[%swap3A_36, %swap3A_37], %get3A_35 {strides = array<i32>} : memref<2x128xf32, #tpu.memory_space<vmem>>, vector<2x128xf32>,
    } else {
    }
    return
  }
  func.func @transform_0(%arg0: i32) -> (i32, i32) {
    %c0_i32 = arith.constant 0 : i32
    %c0_i32_0 = arith.constant 0 : i32
    return %arg0, %c0_i32 : i32, i32
  }
  func.func @transform_1(%arg0: i32) -> (i32, i32, i32) {
    %c0_i32 = arith.constant 0 : i32
    %c0_i32_0 = arith.constant 0 : i32
    %c0_i32_1 = arith.constant 0 : i32
    return %c0_i32, %arg0, %c0_i32_0 : i32, i32, i32
  }
  func.func @transform_2(%arg0: i32) -> (i32, i32, i32) {
    %c1_i32 = arith.constant 1 : i32
    %c0_i32 = arith.constant 0 : i32
    %c0_i32_0 = arith.constant 0 : i32
    return %c1_i32, %arg0, %c0_i32 : i32, i32, i32
  }
  func.func @transform_3(%arg0: i32) -> (i32, i32) {
    %c0_i32 = arith.constant 0 : i32
    %c0_i32_0 = arith.constant 0 : i32
    return %arg0, %c0_i32 : i32, i32
  }
  func.func @transform_4(%arg0: i32) -> (i32, i32) {
    %c0_i32 = arith.constant 0 : i32
    %c0_i32_0 = arith.constant 0 : i32
    %c0_i32_1 = arith.constant 0 : i32
    return %c0_i32, %c0_i32_0 : i32, i32
  }
}

module attributes {stable_mosaic.version = 14 : i64} {
  func.func @_bnrelu_dense2_body(%arg0: i32, %arg1: memref<1000x128xf32, #tpu.memory_space<vmem>>, %arg2: memref<2x128xf32, #tpu.memory_space<vmem>>, %arg3: memref<1x128xf32, #tpu.memory_space<vmem>>, %arg4: memref<1x128xf32, #tpu.memory_space<vmem>>, %arg5: memref<128x128xf32, #tpu.memory_space<vmem>>, %arg6: memref<1x128xf32, #tpu.memory_space<vmem>>, %arg7: memref<128x128xf32, #tpu.memory_space<vmem>>, %arg8: memref<1x128xf32, #tpu.memory_space<vmem>>, %arg9: memref<1000x128xf32, #tpu.memory_space<vmem>>, %arg10: memref<1000x128xf32, #tpu.memory_space<vmem>>) attributes {dimension_semantics = [#tpu.dimension_semantics<arbitrary>], iteration_bounds = array<i64: 10>, scalar_prefetch = 0 : i64, scratch_operands = 0 : i64, tpu.core_type = #tpu.core_type<tc>, window_params = [{transform_indices = @transform_0, window_bounds = array<i64: 1000, 128>}, {pipeline_mode = #tpu.pipeline_mode<synchronous>, transform_indices = @transform_1, window_bounds = array<i64: 2, 128>}, {pipeline_mode = #tpu.pipeline_mode<synchronous>, transform_indices = @transform_2, window_bounds = array<i64: 1, 128>}, {pipeline_mode = #tpu.pipeline_mode<synchronous>, transform_indices = @transform_3, window_bounds = array<i64: 1, 128>}, {pipeline_mode = #tpu.pipeline_mode<synchronous>, transform_indices = @transform_4, window_bounds = array<i64: 128, 128>}, {pipeline_mode = #tpu.pipeline_mode<synchronous>, transform_indices = @transform_5, window_bounds = array<i64: 1, 128>}, {pipeline_mode = #tpu.pipeline_mode<synchronous>, transform_indices = @transform_6, window_bounds = array<i64: 128, 128>}, {pipeline_mode = #tpu.pipeline_mode<synchronous>, transform_indices = @transform_7, window_bounds = array<i64: 1, 128>}, {transform_indices = @transform_8, window_bounds = array<i64: 1000, 128>}, {transform_indices = @transform_9, window_bounds = array<i64: 1000, 128>}]} {
    %get3A = arith.constant 0 : index
    %get3A_0 = arith.constant 0 : index
    %get3A_1 = vector.load %arg1[%get3A, %get3A_0] : memref<1000x128xf32, #tpu.memory_space<vmem>>, vector<1000x128xf32>
    %get3A_2 = arith.constant 0 : index
    %get3A_3 = arith.constant 0 : index
    %get3A_4 = vector.load %arg2[%get3A_2, %get3A_3] : memref<2x128xf32, #tpu.memory_space<vmem>>, vector<2x128xf32>
    %get3A_5 = arith.constant 0 : index
    %get3A_6 = arith.constant 0 : index
    %get3A_7 = vector.load %arg3[%get3A_5, %get3A_6] : memref<1x128xf32, #tpu.memory_space<vmem>>, vector<1x128xf32>
    %get3A_8 = arith.constant 0 : index
    %get3A_9 = arith.constant 0 : index
    %get3A_10 = vector.load %arg4[%get3A_8, %get3A_9] : memref<1x128xf32, #tpu.memory_space<vmem>>, vector<1x128xf32>
    %slice3A = vector.extract_strided_slice %get3A_4 {offsets = [0, 0], sizes = [1, 128], strides = [1, 1]} : vector<2x128xf32> to vector<1x128xf32>
    %div3A = arith.constant 1.000000e+04 : f32
    %div3A_11 = vector.broadcast %div3A : f32 to vector<1x128xf32>
    %div3A_12 = arith.divf %slice3A, %div3A_11 : vector<1x128xf32>
    %slice3A_13 = vector.extract_strided_slice %get3A_4 {offsets = [1, 0], sizes = [1, 128], strides = [1, 1]} : vector<2x128xf32> to vector<1x128xf32>
    %div3A_14 = arith.constant 1.000000e+04 : f32
    %div3A_15 = vector.broadcast %div3A_14 : f32 to vector<1x128xf32>
    %div3A_16 = arith.divf %slice3A_13, %div3A_15 : vector<1x128xf32>
    %mul3A = arith.mulf %div3A_12, %div3A_12 : vector<1x128xf32>
    %sub3A = arith.subf %div3A_16, %mul3A : vector<1x128xf32>
    %add3A = arith.constant 9.99999974E-6 : f32
    %add3A_17 = vector.broadcast %add3A : f32 to vector<1x128xf32>
    %add3A_18 = arith.addf %sub3A, %add3A_17 : vector<1x128xf32>
    %rsqrt3A = math.rsqrt %add3A_18 : vector<1x128xf32>
    %sub3A_19 = vector.broadcast %div3A_12 : vector<1x128xf32> to vector<1000x128xf32>
    %sub3A_20 = arith.subf %get3A_1, %sub3A_19 : vector<1000x128xf32>
    %mul3A_21 = vector.broadcast %get3A_7 : vector<1x128xf32> to vector<1000x128xf32>
    %mul3A_22 = arith.mulf %mul3A_21, %sub3A_20 : vector<1000x128xf32>
    %mul3A_23 = vector.broadcast %rsqrt3A : vector<1x128xf32> to vector<1000x128xf32>
    %mul3A_24 = arith.mulf %mul3A_22, %mul3A_23 : vector<1000x128xf32>
    %add3A_25 = vector.broadcast %get3A_10 : vector<1x128xf32> to vector<1000x128xf32>
    %add3A_26 = arith.addf %mul3A_24, %add3A_25 : vector<1000x128xf32>
    %max3A = arith.constant 0.000000e+00 : f32
    %max3A_27 = vector.broadcast %max3A : f32 to vector<1000x128xf32>
    %max3A_28 = arith.maximumf %add3A_26, %max3A_27 : vector<1000x128xf32>
    %get3A_29 = arith.constant 0 : index
    %get3A_30 = arith.constant 0 : index
    %get3A_31 = vector.load %arg5[%get3A_29, %get3A_30] : memref<128x128xf32, #tpu.memory_space<vmem>>, vector<128x128xf32>
    %dot_general3A = arith.constant dense<0.000000e+00> : vector<1000x128xf32>
    %dot_general3A_32 = tpu.matmul %max3A_28, %get3A_31, %dot_general3A {dimension_numbers = #tpu.dot_dimension_numbers<[1], [1], [0], [0], [0, 0, 1, 0], [], []>, transpose_lhs_hint = false} : vector<1000x128xf32>, vector<128x128xf32>, vector<1000x128xf32> -> vector<1000x128xf32>
    %get3A_33 = arith.constant 0 : index
    %get3A_34 = arith.constant 0 : index
    %get3A_35 = vector.load %arg6[%get3A_33, %get3A_34] : memref<1x128xf32, #tpu.memory_space<vmem>>, vector<1x128xf32>
    %add3A_36 = vector.broadcast %get3A_35 : vector<1x128xf32> to vector<1000x128xf32>
    %add3A_37 = arith.addf %dot_general3A_32, %add3A_36 : vector<1000x128xf32>
    %swap3A = arith.constant 0 : index
    %swap3A_38 = arith.constant 0 : index
    %swap3A_39 = vector.load %arg9[%swap3A, %swap3A_38] : memref<1000x128xf32, #tpu.memory_space<vmem>>, vector<1000x128xf32>
    tpu.vector_store %arg9[%swap3A, %swap3A_38], %add3A_37 {strides = array<i32>} : memref<1000x128xf32, #tpu.memory_space<vmem>>, vector<1000x128xf32>,
    %get3A_40 = arith.constant 0 : index
    %get3A_41 = arith.constant 0 : index
    %get3A_42 = vector.load %arg7[%get3A_40, %get3A_41] : memref<128x128xf32, #tpu.memory_space<vmem>>, vector<128x128xf32>
    %dot_general3A_43 = arith.constant dense<0.000000e+00> : vector<1000x128xf32>
    %dot_general3A_44 = tpu.matmul %max3A_28, %get3A_42, %dot_general3A_43 {dimension_numbers = #tpu.dot_dimension_numbers<[1], [1], [0], [0], [0, 0, 1, 0], [], []>, transpose_lhs_hint = false} : vector<1000x128xf32>, vector<128x128xf32>, vector<1000x128xf32> -> vector<1000x128xf32>
    %get3A_45 = arith.constant 0 : index
    %get3A_46 = arith.constant 0 : index
    %get3A_47 = vector.load %arg8[%get3A_45, %get3A_46] : memref<1x128xf32, #tpu.memory_space<vmem>>, vector<1x128xf32>
    %add3A_48 = vector.broadcast %get3A_47 : vector<1x128xf32> to vector<1000x128xf32>
    %add3A_49 = arith.addf %dot_general3A_44, %add3A_48 : vector<1000x128xf32>
    %swap3A_50 = arith.constant 0 : index
    %swap3A_51 = arith.constant 0 : index
    %swap3A_52 = vector.load %arg10[%swap3A_50, %swap3A_51] : memref<1000x128xf32, #tpu.memory_space<vmem>>, vector<1000x128xf32>
    tpu.vector_store %arg10[%swap3A_50, %swap3A_51], %add3A_49 {strides = array<i32>} : memref<1000x128xf32, #tpu.memory_space<vmem>>, vector<1000x128xf32>,
    return
  }
  func.func @transform_0(%arg0: i32) -> (i32, i32) {
    %c0_i32 = arith.constant 0 : i32
    %c0_i32_0 = arith.constant 0 : i32
    return %arg0, %c0_i32 : i32, i32
  }
  func.func @transform_1(%arg0: i32) -> (i32, i32) {
    %c0_i32 = arith.constant 0 : i32
    %c0_i32_0 = arith.constant 0 : i32
    %c0_i32_1 = arith.constant 0 : i32
    return %c0_i32, %c0_i32_0 : i32, i32
  }
  func.func @transform_2(%arg0: i32) -> (i32, i32) {
    %c0_i32 = arith.constant 0 : i32
    %c0_i32_0 = arith.constant 0 : i32
    %c0_i32_1 = arith.constant 0 : i32
    return %c0_i32, %c0_i32_0 : i32, i32
  }
  func.func @transform_3(%arg0: i32) -> (i32, i32) {
    %c0_i32 = arith.constant 0 : i32
    %c0_i32_0 = arith.constant 0 : i32
    %c0_i32_1 = arith.constant 0 : i32
    return %c0_i32, %c0_i32_0 : i32, i32
  }
  func.func @transform_4(%arg0: i32) -> (i32, i32) {
    %c0_i32 = arith.constant 0 : i32
    %c0_i32_0 = arith.constant 0 : i32
    %c0_i32_1 = arith.constant 0 : i32
    return %c0_i32, %c0_i32_0 : i32, i32
  }
  func.func @transform_5(%arg0: i32) -> (i32, i32) {
    %c0_i32 = arith.constant 0 : i32
    %c0_i32_0 = arith.constant 0 : i32
    %c0_i32_1 = arith.constant 0 : i32
    return %c0_i32, %c0_i32_0 : i32, i32
  }
  func.func @transform_6(%arg0: i32) -> (i32, i32) {
    %c0_i32 = arith.constant 0 : i32
    %c0_i32_0 = arith.constant 0 : i32
    %c0_i32_1 = arith.constant 0 : i32
    return %c0_i32, %c0_i32_0 : i32, i32
  }
  func.func @transform_7(%arg0: i32) -> (i32, i32) {
    %c0_i32 = arith.constant 0 : i32
    %c0_i32_0 = arith.constant 0 : i32
    %c0_i32_1 = arith.constant 0 : i32
    return %c0_i32, %c0_i32_0 : i32, i32
  }
  func.func @transform_8(%arg0: i32) -> (i32, i32) {
    %c0_i32 = arith.constant 0 : i32
    %c0_i32_0 = arith.constant 0 : i32
    return %arg0, %c0_i32 : i32, i32
  }
  func.func @transform_9(%arg0: i32) -> (i32, i32) {
    %c0_i32 = arith.constant 0 : i32
    %c0_i32_0 = arith.constant 0 : i32
    return %arg0, %c0_i32 : i32, i32
  }
}

module attributes {stable_mosaic.version = 14 : i64} {
  func.func @_final_body(%arg0: i32, %arg1: memref<1000x128xf32, #tpu.memory_space<vmem>>, %arg2: memref<2x128xf32, #tpu.memory_space<vmem>>, %arg3: memref<1x128xf32, #tpu.memory_space<vmem>>, %arg4: memref<1x128xf32, #tpu.memory_space<vmem>>, %arg5: memref<1x1x1000xi32, #tpu.memory_space<vmem>>, %arg6: memref<512x128xf32, #tpu.memory_space<vmem>>, %arg7: memref<1x512xf32, #tpu.memory_space<vmem>>, %arg8: memref<256x512xf32, #tpu.memory_space<vmem>>, %arg9: memref<1x256xf32, #tpu.memory_space<vmem>>, %arg10: memref<256x512xf32, #tpu.memory_space<vmem>>, %arg11: memref<1x256xf32, #tpu.memory_space<vmem>>, %arg12: memref<256x512xf32, #tpu.memory_space<vmem>>, %arg13: memref<1x256xf32, #tpu.memory_space<vmem>>, %arg14: memref<256x512xf32, #tpu.memory_space<vmem>>, %arg15: memref<1x256xf32, #tpu.memory_space<vmem>>, %arg16: memref<3x256xf32, #tpu.memory_space<vmem>>, %arg17: memref<1x3xf32, #tpu.memory_space<vmem>>, %arg18: memref<2x256xf32, #tpu.memory_space<vmem>>, %arg19: memref<1x2xf32, #tpu.memory_space<vmem>>, %arg20: memref<4x256xf32, #tpu.memory_space<vmem>>, %arg21: memref<1x4xf32, #tpu.memory_space<vmem>>, %arg22: memref<5x256xf32, #tpu.memory_space<vmem>>, %arg23: memref<1x5xf32, #tpu.memory_space<vmem>>, %arg24: memref<64x3xf32, #tpu.memory_space<vmem>>, %arg25: memref<64x2xf32, #tpu.memory_space<vmem>>, %arg26: memref<64x4xf32, #tpu.memory_space<vmem>>, %arg27: memref<64x5xf32, #tpu.memory_space<vmem>>, %arg28: memref<64x128xf32, #tpu.memory_space<vmem>>, %arg29: memref<64x128xf32, #tpu.memory_space<vmem>>) attributes {dimension_semantics = [#tpu.dimension_semantics<arbitrary>], iteration_bounds = array<i64: 10>, scalar_prefetch = 0 : i64, scratch_operands = 2 : i64, tpu.core_type = #tpu.core_type<tc>, window_params = [{transform_indices = @transform_0, window_bounds = array<i64: 1000, 128>}, {pipeline_mode = #tpu.pipeline_mode<synchronous>, transform_indices = @transform_1, window_bounds = array<i64: 2, 128>}, {pipeline_mode = #tpu.pipeline_mode<synchronous>, transform_indices = @transform_2, window_bounds = array<i64: 1, 128>}, {pipeline_mode = #tpu.pipeline_mode<synchronous>, transform_indices = @transform_3, window_bounds = array<i64: 1, 128>}, {transform_indices = @transform_4, window_bounds = array<i64: 1, 1, 1000>}, {pipeline_mode = #tpu.pipeline_mode<synchronous>, transform_indices = @transform_5, window_bounds = array<i64: 512, 128>}, {pipeline_mode = #tpu.pipeline_mode<synchronous>, transform_indices = @transform_6, window_bounds = array<i64: 1, 512>}, {pipeline_mode = #tpu.pipeline_mode<synchronous>, transform_indices = @transform_7, window_bounds = array<i64: 256, 512>}, {pipeline_mode = #tpu.pipeline_mode<synchronous>, transform_indices = @transform_8, window_bounds = array<i64: 1, 256>}, {pipeline_mode = #tpu.pipeline_mode<synchronous>, transform_indices = @transform_9, window_bounds = array<i64: 256, 512>}, {pipeline_mode = #tpu.pipeline_mode<synchronous>, transform_indices = @transform_10, window_bounds = array<i64: 1, 256>}, {pipeline_mode = #tpu.pipeline_mode<synchronous>, transform_indices = @transform_11, window_bounds = array<i64: 256, 512>}, {pipeline_mode = #tpu.pipeline_mode<synchronous>, transform_indices = @transform_12, window_bounds = array<i64: 1, 256>}, {pipeline_mode = #tpu.pipeline_mode<synchronous>, transform_indices = @transform_13, window_bounds = array<i64: 256, 512>}, {pipeline_mode = #tpu.pipeline_mode<synchronous>, transform_indices = @transform_14, window_bounds = array<i64: 1, 256>}, {pipeline_mode = #tpu.pipeline_mode<synchronous>, transform_indices = @transform_15, window_bounds = array<i64: 3, 256>}, {pipeline_mode = #tpu.pipeline_mode<synchronous>, transform_indices = @transform_16, window_bounds = array<i64: 1, 3>}, {pipeline_mode = #tpu.pipeline_mode<synchronous>, transform_indices = @transform_17, window_bounds = array<i64: 2, 256>}, {pipeline_mode = #tpu.pipeline_mode<synchronous>, transform_indices = @transform_18, window_bounds = array<i64: 1, 2>}, {pipeline_mode = #tpu.pipeline_mode<synchronous>, transform_indices = @transform_19, window_bounds = array<i64: 4, 256>}, {pipeline_mode = #tpu.pipeline_mode<synchronous>, transform_indices = @transform_20, window_bounds = array<i64: 1, 4>}, {pipeline_mode = #tpu.pipeline_mode<synchronous>, transform_indices = @transform_21, window_bounds = array<i64: 5, 256>}, {pipeline_mode = #tpu.pipeline_mode<synchronous>, transform_indices = @transform_22, window_bounds = array<i64: 1, 5>}, {pipeline_mode = #tpu.pipeline_mode<synchronous>, transform_indices = @transform_23, window_bounds = array<i64: 64, 3>}, {pipeline_mode = #tpu.pipeline_mode<synchronous>, transform_indices = @transform_24, window_bounds = array<i64: 64, 2>}, {pipeline_mode = #tpu.pipeline_mode<synchronous>, transform_indices = @transform_25, window_bounds = array<i64: 64, 4>}, {pipeline_mode = #tpu.pipeline_mode<synchronous>, transform_indices = @transform_26, window_bounds = array<i64: 64, 5>}]} {
    %get3A = arith.constant 0 : index
    %get3A_0 = arith.constant 0 : index
    %get3A_1 = vector.load %arg1[%get3A, %get3A_0] : memref<1000x128xf32, #tpu.memory_space<vmem>>, vector<1000x128xf32>
    %get3A_2 = arith.constant 0 : index
    %get3A_3 = arith.constant 0 : index
    %get3A_4 = vector.load %arg2[%get3A_2, %get3A_3] : memref<2x128xf32, #tpu.memory_space<vmem>>, vector<2x128xf32>
    %get3A_5 = arith.constant 0 : index
    %get3A_6 = arith.constant 0 : index
    %get3A_7 = vector.load %arg3[%get3A_5, %get3A_6] : memref<1x128xf32, #tpu.memory_space<vmem>>, vector<1x128xf32>
    %get3A_8 = arith.constant 0 : index
    %get3A_9 = arith.constant 0 : index
    %get3A_10 = vector.load %arg4[%get3A_8, %get3A_9] : memref<1x128xf32, #tpu.memory_space<vmem>>, vector<1x128xf32>
    %slice3A = vector.extract_strided_slice %get3A_4 {offsets = [0, 0], sizes = [1, 128], strides = [1, 1]} : vector<2x128xf32> to vector<1x128xf32>
    %div3A = arith.constant 1.000000e+04 : f32
    %div3A_11 = vector.broadcast %div3A : f32 to vector<1x128xf32>
    %div3A_12 = arith.divf %slice3A, %div3A_11 : vector<1x128xf32>
    %slice3A_13 = vector.extract_strided_slice %get3A_4 {offsets = [1, 0], sizes = [1, 128], strides = [1, 1]} : vector<2x128xf32> to vector<1x128xf32>
    %div3A_14 = arith.constant 1.000000e+04 : f32
    %div3A_15 = vector.broadcast %div3A_14 : f32 to vector<1x128xf32>
    %div3A_16 = arith.divf %slice3A_13, %div3A_15 : vector<1x128xf32>
    %mul3A = arith.mulf %div3A_12, %div3A_12 : vector<1x128xf32>
    %sub3A = arith.subf %div3A_16, %mul3A : vector<1x128xf32>
    %add3A = arith.constant 9.99999974E-6 : f32
    %add3A_17 = vector.broadcast %add3A : f32 to vector<1x128xf32>
    %add3A_18 = arith.addf %sub3A, %add3A_17 : vector<1x128xf32>
    %rsqrt3A = math.rsqrt %add3A_18 : vector<1x128xf32>
    %sub3A_19 = vector.broadcast %div3A_12 : vector<1x128xf32> to vector<1000x128xf32>
    %sub3A_20 = arith.subf %get3A_1, %sub3A_19 : vector<1000x128xf32>
    %mul3A_21 = vector.broadcast %get3A_7 : vector<1x128xf32> to vector<1000x128xf32>
    %mul3A_22 = arith.mulf %mul3A_21, %sub3A_20 : vector<1000x128xf32>
    %mul3A_23 = vector.broadcast %rsqrt3A : vector<1x128xf32> to vector<1000x128xf32>
    %mul3A_24 = arith.mulf %mul3A_22, %mul3A_23 : vector<1000x128xf32>
    %add3A_25 = vector.broadcast %get3A_10 : vector<1x128xf32> to vector<1000x128xf32>
    %add3A_26 = arith.addf %mul3A_24, %add3A_25 : vector<1000x128xf32>
    %max3A = arith.constant 0.000000e+00 : f32
    %max3A_27 = vector.broadcast %max3A : f32 to vector<1000x128xf32>
    %max3A_28 = arith.maximumf %add3A_26, %max3A_27 : vector<1000x128xf32>
    %eq3A = arith.constant 0 : i32
    %eq3A_29 = arith.cmpi eq, %arg0, %eq3A : i32
    %convert_element_type3A = arith.extui %eq3A_29 : i1 to i32
    %cond3A = arith.constant 0 : i32
    %cond3A_30 = arith.cmpi ne, %convert_element_type3A, %cond3A : i32
    scf.if %cond3A_30 {
      %broadcast_in_dim3A_62 = arith.constant 0.000000e+00 : f32
      %broadcast_in_dim3A_63 = vector.broadcast %broadcast_in_dim3A_62 : f32 to vector<64x128xf32>
      %swap3A_64 = arith.constant 0 : index
      %swap3A_65 = arith.constant 0 : index
      %swap3A_66 = vector.load %arg28[%swap3A_64, %swap3A_65] : memref<64x128xf32, #tpu.memory_space<vmem>>, vector<64x128xf32>
      tpu.vector_store %arg28[%swap3A_64, %swap3A_65], %broadcast_in_dim3A_63 {strides = array<i32>} : memref<64x128xf32, #tpu.memory_space<vmem>>, vector<64x128xf32>,
      %broadcast_in_dim3A_67 = arith.constant 0.000000e+00 : f32
      %broadcast_in_dim3A_68 = vector.broadcast %broadcast_in_dim3A_67 : f32 to vector<64x128xf32>
      %swap3A_69 = arith.constant 0 : index
      %swap3A_70 = arith.constant 0 : index
      %swap3A_71 = vector.load %arg29[%swap3A_69, %swap3A_70] : memref<64x128xf32, #tpu.memory_space<vmem>>, vector<64x128xf32>
      tpu.vector_store %arg29[%swap3A_69, %swap3A_70], %broadcast_in_dim3A_68 {strides = array<i32>} : memref<64x128xf32, #tpu.memory_space<vmem>>, vector<64x128xf32>,
    } else {
    }
    %get3A_31 = arith.constant 0 : index
    %get3A_32 = arith.constant 0 : index
    %get3A_33 = arith.constant 0 : index
    %get3A_34 = vector.load %arg5[%get3A_31, %get3A_32, %get3A_33] : memref<1x1x1000xi32, #tpu.memory_space<vmem>>, vector<1x1x1000xi32>
    %get3A_35 = vector.shape_cast %get3A_34 : vector<1x1x1000xi32> to vector<1x1000xi32>
    %iota3A = tpu.iota {dimensions = array<i32: 0>} : vector<64x1000xi32>
    %eq3A_36 = vector.broadcast %get3A_35 : vector<1x1000xi32> to vector<64x1000xi32>
    %eq3A_37 = arith.cmpi eq, %iota3A, %eq3A_36 : vector<64x1000xi32>
    %convert_element_type3A_38 = arith.extui %eq3A_37 : vector<64x1000xi1> to vector<64x1000xi32>
    %convert_element_type3A_39 = arith.sitofp %convert_element_type3A_38 : vector<64x1000xi32> to vector<64x1000xf32>
    %get3A_40 = arith.constant 0 : index
    %get3A_41 = arith.constant 0 : index
    %get3A_42 = vector.load %arg28[%get3A_40, %get3A_41] : memref<64x128xf32, #tpu.memory_space<vmem>>, vector<64x128xf32>
    %dot_general3A = arith.constant dense<0.000000e+00> : vector<64x128xf32>
    %dot_general3A_43 = tpu.matmul %convert_element_type3A_39, %max3A_28, %dot_general3A {dimension_numbers = #tpu.dot_dimension_numbers<[1], [0], [0], [1], [0, 0, 1, 1], [], []>, transpose_lhs_hint = false} : vector<64x1000xf32>, vector<1000x128xf32>, vector<64x128xf32> -> vector<64x128xf32>
    %add3A_44 = arith.addf %get3A_42, %dot_general3A_43 : vector<64x128xf32>
    %swap3A = arith.constant 0 : index
    %swap3A_45 = arith.constant 0 : index
    %swap3A_46 = vector.load %arg28[%swap3A, %swap3A_45] : memref<64x128xf32, #tpu.memory_space<vmem>>, vector<64x128xf32>
    tpu.vector_store %arg28[%swap3A, %swap3A_45], %add3A_44 {strides = array<i32>} : memref<64x128xf32, #tpu.memory_space<vmem>>, vector<64x128xf32>,
    %reduce_sum3A = arith.constant dense<0.000000e+00> : vector<64xf32>
    %reduce_sum3A_47 = vector.multi_reduction <add>, %convert_element_type3A_39, %reduce_sum3A [1] : vector<64x1000xf32> to vector<64xf32>
    %broadcast_in_dim3A = vector.shape_cast %reduce_sum3A_47 : vector<64xf32> to vector<64x1xf32>
    %get3A_48 = arith.constant 0 : index
    %get3A_49 = arith.constant 0 : index
    %get3A_50 = vector.load %arg29[%get3A_48, %get3A_49] : memref<64x128xf32, #tpu.memory_space<vmem>>, vector<64x128xf32>
    %broadcast_in_dim3A_51 = vector.shape_cast %broadcast_in_dim3A : vector<64x1xf32> to vector<64x1xf32>
    %broadcast_in_dim3A_52 = vector.broadcast %broadcast_in_dim3A_51 : vector<64x1xf32> to vector<64x128xf32>
    %add3A_53 = arith.addf %get3A_50, %broadcast_in_dim3A_52 : vector<64x128xf32>
    %swap3A_54 = arith.constant 0 : index
    %swap3A_55 = arith.constant 0 : index
    %swap3A_56 = vector.load %arg29[%swap3A_54, %swap3A_55] : memref<64x128xf32, #tpu.memory_space<vmem>>, vector<64x128xf32>
    tpu.vector_store %arg29[%swap3A_54, %swap3A_55], %add3A_53 {strides = array<i32>} : memref<64x128xf32, #tpu.memory_space<vmem>>, vector<64x128xf32>,
    %eq3A_57 = arith.constant 9 : i32
    %eq3A_58 = arith.cmpi eq, %arg0, %eq3A_57 : i32
    %convert_element_type3A_59 = arith.extui %eq3A_58 : i1 to i32
    %cond3A_60 = arith.constant 0 : i32
    %cond3A_61 = arith.cmpi ne, %convert_element_type3A_59, %cond3A_60 : i32
    scf.if %cond3A_61 {
      %get3A_62 = arith.constant 0 : index
      %get3A_63 = arith.constant 0 : index
      %get3A_64 = vector.load %arg28[%get3A_62, %get3A_63] : memref<64x128xf32, #tpu.memory_space<vmem>>, vector<64x128xf32>
      %get3A_65 = arith.constant 0 : index
      %get3A_66 = arith.constant 0 : index
      %get3A_67 = vector.load %arg29[%get3A_65, %get3A_66] : memref<64x128xf32, #tpu.memory_space<vmem>>, vector<64x128xf32>
      %max3A_68 = arith.constant 1.000000e+00 : f32
      %max3A_69 = vector.broadcast %max3A_68 : f32 to vector<64x128xf32>
      %max3A_70 = arith.maximumf %get3A_67, %max3A_69 : vector<64x128xf32>
      %div3A_71 = arith.divf %get3A_64, %max3A_70 : vector<64x128xf32>
      %get3A_72 = arith.constant 0 : index
      %get3A_73 = arith.constant 0 : index
      %get3A_74 = vector.load %arg6[%get3A_72, %get3A_73] : memref<512x128xf32, #tpu.memory_space<vmem>>, vector<512x128xf32>
      %dot_general3A_75 = arith.constant dense<0.000000e+00> : vector<64x512xf32>
      %dot_general3A_76 = tpu.matmul %div3A_71, %get3A_74, %dot_general3A_75 {dimension_numbers = #tpu.dot_dimension_numbers<[1], [1], [0], [0], [0, 0, 1, 0], [], []>, transpose_lhs_hint = false} : vector<64x128xf32>, vector<512x128xf32>, vector<64x512xf32> -> vector<64x512xf32>
      %get3A_77 = arith.constant 0 : index
      %get3A_78 = arith.constant 0 : index
      %get3A_79 = vector.load %arg7[%get3A_77, %get3A_78] : memref<1x512xf32, #tpu.memory_space<vmem>>, vector<1x512xf32>
      %add3A_80 = vector.broadcast %get3A_79 : vector<1x512xf32> to vector<64x512xf32>
      %add3A_81 = arith.addf %dot_general3A_76, %add3A_80 : vector<64x512xf32>
      %max3A_82 = arith.constant 0.000000e+00 : f32
      %max3A_83 = vector.broadcast %max3A_82 : f32 to vector<64x512xf32>
      %max3A_84 = arith.maximumf %add3A_81, %max3A_83 : vector<64x512xf32>
      %get3A_85 = arith.constant 0 : index
      %get3A_86 = arith.constant 0 : index
      %get3A_87 = vector.load %arg8[%get3A_85, %get3A_86] : memref<256x512xf32, #tpu.memory_space<vmem>>, vector<256x512xf32>
      %dot_general3A_88 = arith.constant dense<0.000000e+00> : vector<64x256xf32>
      %dot_general3A_89 = tpu.matmul %max3A_84, %get3A_87, %dot_general3A_88 {dimension_numbers = #tpu.dot_dimension_numbers<[1], [1], [0], [0], [0, 0, 1, 0], [], []>, transpose_lhs_hint = false} : vector<64x512xf32>, vector<256x512xf32>, vector<64x256xf32> -> vector<64x256xf32>
      %get3A_90 = arith.constant 0 : index
      %get3A_91 = arith.constant 0 : index
      %get3A_92 = vector.load %arg9[%get3A_90, %get3A_91] : memref<1x256xf32, #tpu.memory_space<vmem>>, vector<1x256xf32>
      %add3A_93 = vector.broadcast %get3A_92 : vector<1x256xf32> to vector<64x256xf32>
      %add3A_94 = arith.addf %dot_general3A_89, %add3A_93 : vector<64x256xf32>
      %max3A_95 = arith.constant 0.000000e+00 : f32
      %max3A_96 = vector.broadcast %max3A_95 : f32 to vector<64x256xf32>
      %max3A_97 = arith.maximumf %add3A_94, %max3A_96 : vector<64x256xf32>
      %get3A_98 = arith.constant 0 : index
      %get3A_99 = arith.constant 0 : index
      %get3A_100 = vector.load %arg16[%get3A_98, %get3A_99] : memref<3x256xf32, #tpu.memory_space<vmem>>, vector<3x256xf32>
      %dot_general3A_101 = arith.constant dense<0.000000e+00> : vector<64x3xf32>
      %dot_general3A_102 = tpu.matmul %max3A_97, %get3A_100, %dot_general3A_101 {dimension_numbers = #tpu.dot_dimension_numbers<[1], [1], [0], [0], [0, 0, 1, 0], [], []>, transpose_lhs_hint = false} : vector<64x256xf32>, vector<3x256xf32>, vector<64x3xf32> -> vector<64x3xf32>
      %get3A_103 = arith.constant 0 : index
      %get3A_104 = arith.constant 0 : index
      %get3A_105 = vector.load %arg17[%get3A_103, %get3A_104] : memref<1x3xf32, #tpu.memory_space<vmem>>, vector<1x3xf32>
      %add3A_106 = vector.broadcast %get3A_105 : vector<1x3xf32> to vector<64x3xf32>
      %add3A_107 = arith.addf %dot_general3A_102, %add3A_106 : vector<64x3xf32>
      %swap3A_108 = arith.constant 0 : index
      %swap3A_109 = arith.constant 0 : index
      %swap3A_110 = vector.load %arg24[%swap3A_108, %swap3A_109] : memref<64x3xf32, #tpu.memory_space<vmem>>, vector<64x3xf32>
      tpu.vector_store %arg24[%swap3A_108, %swap3A_109], %add3A_107 {strides = array<i32>} : memref<64x3xf32, #tpu.memory_space<vmem>>, vector<64x3xf32>,
      %get3A_111 = arith.constant 0 : index
      %get3A_112 = arith.constant 0 : index
      %get3A_113 = vector.load %arg10[%get3A_111, %get3A_112] : memref<256x512xf32, #tpu.memory_space<vmem>>, vector<256x512xf32>
      %dot_general3A_114 = arith.constant dense<0.000000e+00> : vector<64x256xf32>
      %dot_general3A_115 = tpu.matmul %max3A_84, %get3A_113, %dot_general3A_114 {dimension_numbers = #tpu.dot_dimension_numbers<[1], [1], [0], [0], [0, 0, 1, 0], [], []>, transpose_lhs_hint = false} : vector<64x512xf32>, vector<256x512xf32>, vector<64x256xf32> -> vector<64x256xf32>
      %get3A_116 = arith.constant 0 : index
      %get3A_117 = arith.constant 0 : index
      %get3A_118 = vector.load %arg11[%get3A_116, %get3A_117] : memref<1x256xf32, #tpu.memory_space<vmem>>, vector<1x256xf32>
      %add3A_119 = vector.broadcast %get3A_118 : vector<1x256xf32> to vector<64x256xf32>
      %add3A_120 = arith.addf %dot_general3A_115, %add3A_119 : vector<64x256xf32>
      %max3A_121 = arith.constant 0.000000e+00 : f32
      %max3A_122 = vector.broadcast %max3A_121 : f32 to vector<64x256xf32>
      %max3A_123 = arith.maximumf %add3A_120, %max3A_122 : vector<64x256xf32>
      %get3A_124 = arith.constant 0 : index
      %get3A_125 = arith.constant 0 : index
      %get3A_126 = vector.load %arg18[%get3A_124, %get3A_125] : memref<2x256xf32, #tpu.memory_space<vmem>>, vector<2x256xf32>
      %dot_general3A_127 = arith.constant dense<0.000000e+00> : vector<64x2xf32>
      %dot_general3A_128 = tpu.matmul %max3A_123, %get3A_126, %dot_general3A_127 {dimension_numbers = #tpu.dot_dimension_numbers<[1], [1], [0], [0], [0, 0, 1, 0], [], []>, transpose_lhs_hint = false} : vector<64x256xf32>, vector<2x256xf32>, vector<64x2xf32> -> vector<64x2xf32>
      %get3A_129 = arith.constant 0 : index
      %get3A_130 = arith.constant 0 : index
      %get3A_131 = vector.load %arg19[%get3A_129, %get3A_130] : memref<1x2xf32, #tpu.memory_space<vmem>>, vector<1x2xf32>
      %add3A_132 = vector.broadcast %get3A_131 : vector<1x2xf32> to vector<64x2xf32>
      %add3A_133 = arith.addf %dot_general3A_128, %add3A_132 : vector<64x2xf32>
      %swap3A_134 = arith.constant 0 : index
      %swap3A_135 = arith.constant 0 : index
      %swap3A_136 = vector.load %arg25[%swap3A_134, %swap3A_135] : memref<64x2xf32, #tpu.memory_space<vmem>>, vector<64x2xf32>
      tpu.vector_store %arg25[%swap3A_134, %swap3A_135], %add3A_133 {strides = array<i32>} : memref<64x2xf32, #tpu.memory_space<vmem>>, vector<64x2xf32>,
      %get3A_137 = arith.constant 0 : index
      %get3A_138 = arith.constant 0 : index
      %get3A_139 = vector.load %arg12[%get3A_137, %get3A_138] : memref<256x512xf32, #tpu.memory_space<vmem>>, vector<256x512xf32>
      %dot_general3A_140 = arith.constant dense<0.000000e+00> : vector<64x256xf32>
      %dot_general3A_141 = tpu.matmul %max3A_84, %get3A_139, %dot_general3A_140 {dimension_numbers = #tpu.dot_dimension_numbers<[1], [1], [0], [0], [0, 0, 1, 0], [], []>, transpose_lhs_hint = false} : vector<64x512xf32>, vector<256x512xf32>, vector<64x256xf32> -> vector<64x256xf32>
      %get3A_142 = arith.constant 0 : index
      %get3A_143 = arith.constant 0 : index
      %get3A_144 = vector.load %arg13[%get3A_142, %get3A_143] : memref<1x256xf32, #tpu.memory_space<vmem>>, vector<1x256xf32>
      %add3A_145 = vector.broadcast %get3A_144 : vector<1x256xf32> to vector<64x256xf32>
      %add3A_146 = arith.addf %dot_general3A_141, %add3A_145 : vector<64x256xf32>
      %max3A_147 = arith.constant 0.000000e+00 : f32
      %max3A_148 = vector.broadcast %max3A_147 : f32 to vector<64x256xf32>
      %max3A_149 = arith.maximumf %add3A_146, %max3A_148 : vector<64x256xf32>
      %get3A_150 = arith.constant 0 : index
      %get3A_151 = arith.constant 0 : index
      %get3A_152 = vector.load %arg20[%get3A_150, %get3A_151] : memref<4x256xf32, #tpu.memory_space<vmem>>, vector<4x256xf32>
      %dot_general3A_153 = arith.constant dense<0.000000e+00> : vector<64x4xf32>
      %dot_general3A_154 = tpu.matmul %max3A_149, %get3A_152, %dot_general3A_153 {dimension_numbers = #tpu.dot_dimension_numbers<[1], [1], [0], [0], [0, 0, 1, 0], [], []>, transpose_lhs_hint = false} : vector<64x256xf32>, vector<4x256xf32>, vector<64x4xf32> -> vector<64x4xf32>
      %get3A_155 = arith.constant 0 : index
      %get3A_156 = arith.constant 0 : index
      %get3A_157 = vector.load %arg21[%get3A_155, %get3A_156] : memref<1x4xf32, #tpu.memory_space<vmem>>, vector<1x4xf32>
      %add3A_158 = vector.broadcast %get3A_157 : vector<1x4xf32> to vector<64x4xf32>
      %add3A_159 = arith.addf %dot_general3A_154, %add3A_158 : vector<64x4xf32>
      %swap3A_160 = arith.constant 0 : index
      %swap3A_161 = arith.constant 0 : index
      %swap3A_162 = vector.load %arg26[%swap3A_160, %swap3A_161] : memref<64x4xf32, #tpu.memory_space<vmem>>, vector<64x4xf32>
      tpu.vector_store %arg26[%swap3A_160, %swap3A_161], %add3A_159 {strides = array<i32>} : memref<64x4xf32, #tpu.memory_space<vmem>>, vector<64x4xf32>,
      %get3A_163 = arith.constant 0 : index
      %get3A_164 = arith.constant 0 : index
      %get3A_165 = vector.load %arg14[%get3A_163, %get3A_164] : memref<256x512xf32, #tpu.memory_space<vmem>>, vector<256x512xf32>
      %dot_general3A_166 = arith.constant dense<0.000000e+00> : vector<64x256xf32>
      %dot_general3A_167 = tpu.matmul %max3A_84, %get3A_165, %dot_general3A_166 {dimension_numbers = #tpu.dot_dimension_numbers<[1], [1], [0], [0], [0, 0, 1, 0], [], []>, transpose_lhs_hint = false} : vector<64x512xf32>, vector<256x512xf32>, vector<64x256xf32> -> vector<64x256xf32>
      %get3A_168 = arith.constant 0 : index
      %get3A_169 = arith.constant 0 : index
      %get3A_170 = vector.load %arg15[%get3A_168, %get3A_169] : memref<1x256xf32, #tpu.memory_space<vmem>>, vector<1x256xf32>
      %add3A_171 = vector.broadcast %get3A_170 : vector<1x256xf32> to vector<64x256xf32>
      %add3A_172 = arith.addf %dot_general3A_167, %add3A_171 : vector<64x256xf32>
      %max3A_173 = arith.constant 0.000000e+00 : f32
      %max3A_174 = vector.broadcast %max3A_173 : f32 to vector<64x256xf32>
      %max3A_175 = arith.maximumf %add3A_172, %max3A_174 : vector<64x256xf32>
      %get3A_176 = arith.constant 0 : index
      %get3A_177 = arith.constant 0 : index
      %get3A_178 = vector.load %arg22[%get3A_176, %get3A_177] : memref<5x256xf32, #tpu.memory_space<vmem>>, vector<5x256xf32>
      %dot_general3A_179 = arith.constant dense<0.000000e+00> : vector<64x5xf32>
      %dot_general3A_180 = tpu.matmul %max3A_175, %get3A_178, %dot_general3A_179 {dimension_numbers = #tpu.dot_dimension_numbers<[1], [1], [0], [0], [0, 0, 1, 0], [], []>, transpose_lhs_hint = false} : vector<64x256xf32>, vector<5x256xf32>, vector<64x5xf32> -> vector<64x5xf32>
      %get3A_181 = arith.constant 0 : index
      %get3A_182 = arith.constant 0 : index
      %get3A_183 = vector.load %arg23[%get3A_181, %get3A_182] : memref<1x5xf32, #tpu.memory_space<vmem>>, vector<1x5xf32>
      %add3A_184 = vector.broadcast %get3A_183 : vector<1x5xf32> to vector<64x5xf32>
      %add3A_185 = arith.addf %dot_general3A_180, %add3A_184 : vector<64x5xf32>
      %swap3A_186 = arith.constant 0 : index
      %swap3A_187 = arith.constant 0 : index
      %swap3A_188 = vector.load %arg27[%swap3A_186, %swap3A_187] : memref<64x5xf32, #tpu.memory_space<vmem>>, vector<64x5xf32>
      tpu.vector_store %arg27[%swap3A_186, %swap3A_187], %add3A_185 {strides = array<i32>} : memref<64x5xf32, #tpu.memory_space<vmem>>, vector<64x5xf32>,
    } else {
    }
    return
  }
  func.func @transform_0(%arg0: i32) -> (i32, i32) {
    %c0_i32 = arith.constant 0 : i32
    %c0_i32_0 = arith.constant 0 : i32
    return %arg0, %c0_i32 : i32, i32
  }
  func.func @transform_1(%arg0: i32) -> (i32, i32) {
    %c0_i32 = arith.constant 0 : i32
    %c0_i32_0 = arith.constant 0 : i32
    %c0_i32_1 = arith.constant 0 : i32
    return %c0_i32, %c0_i32_0 : i32, i32
  }
  func.func @transform_2(%arg0: i32) -> (i32, i32) {
    %c0_i32 = arith.constant 0 : i32
    %c0_i32_0 = arith.constant 0 : i32
    %c0_i32_1 = arith.constant 0 : i32
    return %c0_i32, %c0_i32_0 : i32, i32
  }
  func.func @transform_3(%arg0: i32) -> (i32, i32) {
    %c0_i32 = arith.constant 0 : i32
    %c0_i32_0 = arith.constant 0 : i32
    %c0_i32_1 = arith.constant 0 : i32
    return %c0_i32, %c0_i32_0 : i32, i32
  }
  func.func @transform_4(%arg0: i32) -> (i32, i32, i32) {
    %c0_i32 = arith.constant 0 : i32
    %c0_i32_0 = arith.constant 0 : i32
    %c0_i32_1 = arith.constant 0 : i32
    return %arg0, %c0_i32, %c0_i32_0 : i32, i32, i32
  }
  func.func @transform_5(%arg0: i32) -> (i32, i32) {
    %c0_i32 = arith.constant 0 : i32
    %c0_i32_0 = arith.constant 0 : i32
    %c0_i32_1 = arith.constant 0 : i32
    return %c0_i32, %c0_i32_0 : i32, i32
  }
  func.func @transform_6(%arg0: i32) -> (i32, i32) {
    %c0_i32 = arith.constant 0 : i32
    %c0_i32_0 = arith.constant 0 : i32
    %c0_i32_1 = arith.constant 0 : i32
    return %c0_i32, %c0_i32_0 : i32, i32
  }
  func.func @transform_7(%arg0: i32) -> (i32, i32) {
    %c0_i32 = arith.constant 0 : i32
    %c0_i32_0 = arith.constant 0 : i32
    %c0_i32_1 = arith.constant 0 : i32
    return %c0_i32, %c0_i32_0 : i32, i32
  }
  func.func @transform_8(%arg0: i32) -> (i32, i32) {
    %c0_i32 = arith.constant 0 : i32
    %c0_i32_0 = arith.constant 0 : i32
    %c0_i32_1 = arith.constant 0 : i32
    return %c0_i32, %c0_i32_0 : i32, i32
  }
  func.func @transform_9(%arg0: i32) -> (i32, i32) {
    %c0_i32 = arith.constant 0 : i32
    %c0_i32_0 = arith.constant 0 : i32
    %c0_i32_1 = arith.constant 0 : i32
    return %c0_i32, %c0_i32_0 : i32, i32
  }
  func.func @transform_10(%arg0: i32) -> (i32, i32) {
    %c0_i32 = arith.constant 0 : i32
    %c0_i32_0 = arith.constant 0 : i32
    %c0_i32_1 = arith.constant 0 : i32
    return %c0_i32, %c0_i32_0 : i32, i32
  }
  func.func @transform_11(%arg0: i32) -> (i32, i32) {
    %c0_i32 = arith.constant 0 : i32
    %c0_i32_0 = arith.constant 0 : i32
    %c0_i32_1 = arith.constant 0 : i32
    return %c0_i32, %c0_i32_0 : i32, i32
  }
  func.func @transform_12(%arg0: i32) -> (i32, i32) {
    %c0_i32 = arith.constant 0 : i32
    %c0_i32_0 = arith.constant 0 : i32
    %c0_i32_1 = arith.constant 0 : i32
    return %c0_i32, %c0_i32_0 : i32, i32
  }
  func.func @transform_13(%arg0: i32) -> (i32, i32) {
    %c0_i32 = arith.constant 0 : i32
    %c0_i32_0 = arith.constant 0 : i32
    %c0_i32_1 = arith.constant 0 : i32
    return %c0_i32, %c0_i32_0 : i32, i32
  }
  func.func @transform_14(%arg0: i32) -> (i32, i32) {
    %c0_i32 = arith.constant 0 : i32
    %c0_i32_0 = arith.constant 0 : i32
    %c0_i32_1 = arith.constant 0 : i32
    return %c0_i32, %c0_i32_0 : i32, i32
  }
  func.func @transform_15(%arg0: i32) -> (i32, i32) {
    %c0_i32 = arith.constant 0 : i32
    %c0_i32_0 = arith.constant 0 : i32
    %c0_i32_1 = arith.constant 0 : i32
    return %c0_i32, %c0_i32_0 : i32, i32
  }
  func.func @transform_16(%arg0: i32) -> (i32, i32) {
    %c0_i32 = arith.constant 0 : i32
    %c0_i32_0 = arith.constant 0 : i32
    %c0_i32_1 = arith.constant 0 : i32
    return %c0_i32, %c0_i32_0 : i32, i32
  }
  func.func @transform_17(%arg0: i32) -> (i32, i32) {
    %c0_i32 = arith.constant 0 : i32
    %c0_i32_0 = arith.constant 0 : i32
    %c0_i32_1 = arith.constant 0 : i32
    return %c0_i32, %c0_i32_0 : i32, i32
  }
  func.func @transform_18(%arg0: i32) -> (i32, i32) {
    %c0_i32 = arith.constant 0 : i32
    %c0_i32_0 = arith.constant 0 : i32
    %c0_i32_1 = arith.constant 0 : i32
    return %c0_i32, %c0_i32_0 : i32, i32
  }
  func.func @transform_19(%arg0: i32) -> (i32, i32) {
    %c0_i32 = arith.constant 0 : i32
    %c0_i32_0 = arith.constant 0 : i32
    %c0_i32_1 = arith.constant 0 : i32
    return %c0_i32, %c0_i32_0 : i32, i32
  }
  func.func @transform_20(%arg0: i32) -> (i32, i32) {
    %c0_i32 = arith.constant 0 : i32
    %c0_i32_0 = arith.constant 0 : i32
    %c0_i32_1 = arith.constant 0 : i32
    return %c0_i32, %c0_i32_0 : i32, i32
  }
  func.func @transform_21(%arg0: i32) -> (i32, i32) {
    %c0_i32 = arith.constant 0 : i32
    %c0_i32_0 = arith.constant 0 : i32
    %c0_i32_1 = arith.constant 0 : i32
    return %c0_i32, %c0_i32_0 : i32, i32
  }
  func.func @transform_22(%arg0: i32) -> (i32, i32) {
    %c0_i32 = arith.constant 0 : i32
    %c0_i32_0 = arith.constant 0 : i32
    %c0_i32_1 = arith.constant 0 : i32
    return %c0_i32, %c0_i32_0 : i32, i32
  }
  func.func @transform_23(%arg0: i32) -> (i32, i32) {
    %c0_i32 = arith.constant 0 : i32
    %c0_i32_0 = arith.constant 0 : i32
    %c0_i32_1 = arith.constant 0 : i32
    return %c0_i32, %c0_i32_0 : i32, i32
  }
  func.func @transform_24(%arg0: i32) -> (i32, i32) {
    %c0_i32 = arith.constant 0 : i32
    %c0_i32_0 = arith.constant 0 : i32
    %c0_i32_1 = arith.constant 0 : i32
    return %c0_i32, %c0_i32_0 : i32, i32
  }
  func.func @transform_25(%arg0: i32) -> (i32, i32) {
    %c0_i32 = arith.constant 0 : i32
    %c0_i32_0 = arith.constant 0 : i32
    %c0_i32_1 = arith.constant 0 : i32
    return %c0_i32, %c0_i32_0 : i32, i32
  }
  func.func @transform_26(%arg0: i32) -> (i32, i32) {
    %c0_i32 = arith.constant 0 : i32
    %c0_i32_0 = arith.constant 0 : i32
    %c0_i32_1 = arith.constant 0 : i32
    return %c0_i32, %c0_i32_0 : i32, i32
  }
}

</mosaic_0001>

<sc_bundles>
// kernel: kernel.12.cloned.1.call-start
scs
__scs_entry_jumppad:
0x0: {  	(pc) =	sbr.rel $0x88, $3  }
0x1: {  	(tag) =	ssettag $0x0;
	lr =	simm.s32 $0x1  }
0x2: {  	[smem:$0x3F80] =	sst lr;
	_ =	strace $0xD0000000  }
0x3: {  	_ = 	snop  }
0x4: {  	_ = 	snop  }
0x5: {  	_ = 	snop  }
0x6: {  	_ = 	snop  }
0x7: {  	_ = 	snop  }
__scs_overlays_trampoline_lowered:
0x8: {  	[smem:$0x3F8F] =	sst s0  }
0x9: {  	[smem:$0x3F90] =	sst s1  }
0xa: {  	[smem:$0x3F91] =	sst s2  }
0xb: {  	[smem:$0x3F92] =	sst s3  }
0xc: {  	[smem:$0x3F93] =	sst s4  }
0xd: {  	[smem:$0x3F94] =	sst s5  }
0xe: {  	[smem:$0x3F95] =	sst s6  }
0xf: {  	[smem:$0x3F96] =	sst s7  }
0x10: {  	[smem:$0x3F97] =	sst s8  }
0x11: {  	[smem:$0x3F98] =	sst s9;
	s0 =	simm.s32 @!p0 $0x0  }
0x12: {  	s1 =	sld [smem:$0x3F7E];
	s0 =	simm.s32 @p0 $0x1  }
0x13: {  	[smem:$0x3F99] =	sst s0;
	s0 =	simm.s32 @!p1 $0x0  }
0x14: {  	s2 =	sld [smem:$0x3F7D];
	s0 =	simm.s32 @p1 $0x1  }
0x15: {  	[smem:$0x3F9A] =	sst s0;
	s0 =	simm.s32 @!p2 $0x0  }
0x16: {  	s3 =	sld [smem:$0x3FDB];
	s0 =	simm.s32 @p2 $0x1  }
0x17: {  	s4 =	simm.s32 $0x1BF5;
	[smem:$0x3F9C] =	sst s0  }
0x18: {  	s0 =	sld [smem:$0x3F7F];
	_ =	swait.ge [sflag:s4], $0x0  }
0x19: {  	s7 =	sld [smem:$0x3F80]  }
0x1a: {  	s8 =	sadd.s32 $0xFFFFE003, lr  }
0x1b: {  	s9 =	sadd.s32 $0xFFFFFEF7, lr;
	s5 =	simm.s32 $0xFFFFFFFF;
	p2 =	slt.u32 s8, $0xFFFFF086  }
0x1c: {  	p1 =	slt.u32 s9, $0xF7A;
	s5 =	simm.s32 @!p2 $0x0  }
0x1d: {  	s5 =	simm.s32 @p1 $0x1;
	p0 =	seq.s32 s7, s2  }
0x1e: {  	s7 =	smul.u32 @!p0 $0xF7A, s2;
	p2 =	seq.s32 @!p0 s5, $0x0  }
0x1f: {  	s9 =	smul.u32 $0xF7A, s1;
	s8 =	simm.s32 @!p0 $0x1BF5;
	p2 =	por !p2, p0  }
0x20: {  	[sflag:s8] =	ssyncset.s32 @!p0 $0xFFFFF086;
	s6 =	sadd.s32 @!p0 s3, s7;
	s7 =	simm.s32 @!p0 $0x108  }
0x21: {  	s3 =	sadd.s32 s3, s9;
	s6 =	sadd.s32 @!p0 $0x88, s6;
	s7 =	simm.s32 @p2 $0x1082  }
0x22: {  	[simem:s7], [sflag:s8] =	dma.local @!p0 [hbm:s6], $0xF7A  }
0x23: {  	s9 =	sor.u32 $0xD0000000, s2;
	s6 =	simm.s32 $0x108;
	_ =	swait.ge @!p0 [sflag:s8], $0x0  }
0x24: {  	s3 =	sadd.s32 $0x88, s3;
	s6 =	simm.s32 @!p1 $0x1082;
	[sflag:s4] =	ssyncset.s32 $0xFFFFF086  }
0x25: {  	[simem:s6], [sflag:s4] =	dma.local [hbm:s3], $0xF7A  }
0x26: {  	[smem:$0x3F80] =	sst s1;
	(tag) =	ssettag s2;
	_ =	strace s9  }
0x27: {  	s1 =	sld [smem:$0x3F90]  }
0x28: {  	s2 =	sld [smem:$0x3F91]  }
0x29: {  	s4 =	sld [smem:$0x3F93]  }
0x2a: {  	p0 =	seq.s32 s5, $0x0;
	s5 =	sld [smem:$0x3F94]  }
0x2b: {  	s6 =	sld [smem:$0x3F95]  }
0x2c: {  	s7 =	sld [smem:$0x3F96]  }
0x2d: {  	s3 =	simm.s32 $0x108;
	s8 =	sld [smem:$0x3F97]  }
0x2e: {  	s3 =	simm.s32 @!p0 $0x1082;
	s9 =	sld [smem:$0x3F98]  }
0x2f: {  	lr =	sadd.s32 s0, s3;
	s0 =	sld [smem:$0x3F8F]  }
0x30: {  	s3 =	sld [smem:$0x3F92]  }
0x31: {  	[smem:$0x3F9B] =	sst s10  }
0x32: {  	s10 =	sld [smem:$0x3F99];
	_ =	sdelay $0x3  }
0x33: {  	p0 =	seq.s32 s10, $0x1;
	s10 =	sld [smem:$0x3F9B];
	_ =	sdelay $0x3  }
0x34: {  	[smem:$0x3F9B] =	sst s10  }
0x35: {  	s10 =	sld [smem:$0x3F9A];
	_ =	sdelay $0x3  }
0x36: {  	p1 =	seq.s32 s10, $0x1;
	s10 =	sld [smem:$0x3F9B];
	_ =	sdelay $0x3  }
0x37: {  	[smem:$0x3F9B] =	sst s10  }
0x38: {  	s10 =	sld [smem:$0x3F9C]  }
0x39: {  	_ = 	snop;
	(pc) =	sbr.ind lr, $3  }
0x3a: {  	_ = 	snop  }
0x3b: {  	_ = 	snop  }
0x3c: {  	p2 =	seq.s32 s10, $0x1;
	s10 =	sld [smem:$0x3F9B]  }
0x3d: {  	_ =	shalt  }
0x3e: {  	_ =	shalt  }
0x3f: {  	_ =	shalt  }
0x40: {  	_ =	shalt  }
0x41: {  	_ =	shalt  }
0x42: {  	_ =	shalt  }
0x43: {  	_ =	shalt  }
0x44: {  	_ =	shalt  }
0x45: {  	_ =	shalt  }
0x46: {  	_ =	shalt  }
0x47: {  	_ =	shalt  }
0x48: {  	_ =	shalt  }
0x49: {  	_ =	shalt  }
0x4a: {  	_ =	shalt  }
0x4b: {  	_ =	shalt  }
0x4c: {  	_ =	shalt  }
0x4d: {  	_ =	shalt  }
0x4e: {  	_ =	shalt  }
0x4f: {  	_ =	shalt  }
0x50: {  	_ =	shalt  }
0x51: {  	_ =	shalt  }
0x52: {  	_ =	shalt  }
0x53: {  	_ =	shalt  }
0x54: {  	_ =	shalt  }
0x55: {  	_ =	shalt  }
0x56: {  	_ =	shalt  }
0x57: {  	_ =	shalt  }
0x58: {  	_ =	shalt  }
0x59: {  	_ =	shalt  }
0x5a: {  	_ =	shalt  }
0x5b: {  	_ =	shalt  }
0x5c: {  	_ =	shalt  }
0x5d: {  	_ =	shalt  }
0x5e: {  	_ =	shalt  }
0x5f: {  	_ =	shalt  }
0x60: {  	_ =	shalt  }
0x61: {  	_ =	shalt  }
0x62: {  	_ =	shalt  }
0x63: {  	_ =	shalt  }
0x64: {  	_ =	shalt  }
0x65: {  	_ =	shalt  }
0x66: {  	_ =	shalt  }
0x67: {  	_ =	shalt  }
0x68: {  	_ =	shalt  }
0x69: {  	_ =	shalt  }
0x6a: {  	_ =	shalt  }
0x6b: {  	_ =	shalt  }
0x6c: {  	_ =	shalt  }
0x6d: {  	_ =	shalt  }
0x6e: {  	_ =	shalt  }
0x6f: {  	_ =	shalt  }
0x70: {  	_ =	shalt  }
0x71: {  	_ =	shalt  }
0x72: {  	_ =	shalt  }
0x73: {  	_ =	shalt  }
0x74: {  	_ =	shalt  }
0x75: {  	_ =	shalt  }
0x76: {  	_ =	shalt  }
0x77: {  	_ =	shalt  }
0x78: {  	_ =	shalt  }
0x79: {  	_ =	shalt  }
0x7a: {  	_ =	shalt  }
0x7b: {  	_ =	shalt  }
0x7c: {  	_ =	shalt  }
0x7d: {  	_ =	shalt  }
0x7e: {  	_ =	shalt  }
0x7f: {  	_ =	shalt  }
0x80: {  	_ =	shalt  }
0x81: {  	_ =	shalt  }
0x82: {  	_ =	shalt  }
0x83: {  	_ =	shalt  }
0x84: {  	_ =	shalt  }
0x85: {  	_ =	shalt  }
0x86: {  	_ =	shalt  }
0x87: {  	_ =	shalt  }
.Lfunc_end0:
.L_simem_size_0:
called_computation.1_lowered:
.L_overlay_start_0:
0x88: {  	s2 =	sld [smem:$0x3FD9]  }
0x89: {  	s3 =	sld [smem:$0x3FFE];
	_ =	sdelay $0x1  }
0x8a: {  	s1 =	srdreg.scid  }
0x8b: {  	s0 =	sand.u32 $0x1, s1  }
0x8c: {  	s16 =	sshll.u32 s0, $0xA;
	s2 =	sadd.s32 s3, s2  }
0x8d: {  	s2 =	sadd.s32 s2, s16  }
0x8e: {  	[smem:$0x3FA7] =	sst s2  }
0x8f: {  	_ = 	snop  }
0x90: {  	(tm) =	ssettm $0x1  }
0x91: {  	s17 =	sld [smem:$0x3FFB];
	_ =	sdelay $0x3  }
0x92: {  	_ =	strace s17  }
0x93: {  	s2 =	sld [smem:$0x3FFC];
	_ =	sdelay $0x3  }
0x94: {  	_ =	strace s2  }
0x95: {  	s2 =	sld [smem:$0x3FFD];
	_ =	sdelay $0x3  }
0x96: {  	_ =	strace s2  }
0x97: {  	_ =	strace $0x8FFFFFFF  }
0x98: {  	s18 =	sld [smem:$0x3FDB];
	_ =	sdelay $0x1  }
0x99: {  	s19 =	simm.s32 $_scs_section_size  }
0x9a: {  	s4 =	simm.s32 $_size__tile_overlayer_lowered;
	s5 =	simm.s32 $_tile_overlayer_lowered  }
0x9b: {  	s22 =	simm.s32 $0x1BFF;
	s21 =	sshll.u32 s5, $0x1;
	s2 =	sadd.s32 s19, s18  }
0x9c: {  	s6 =	simm.s32 $0x0;
	s20 =	sshll.u32 s4, $0x1;
	s4 =	sadd.s32 s21, s2  }
0x9d: {  	[timem:s6], [sflag:s22] =	dma.local [hbm:s4], s20  }
0x9e: {  	_ =	swait.ge [sflag:s22], s20  }
0x9f: {  	s3 =	ssub.s32 $0x0, s20;
	[sflag:s22] =	ssyncset.done $0x0  }
0xa0: {  	[sflag:s22] =	ssyncadd.s32 s3;
	_ =	sdelay $0x1  }
0xa1: {  	s23 =	simm.s32 $0x1B8B  }
0xa2: {  	_ =	swait.ge [sflag:s23], $0x1  }
0xa3: {  	[sflag:s23] =	ssyncset.done $0x0  }
0xa4: {  	s25 =	simm.s32 $0x1B8E;
	s24 =	sld [smem:$0x3FFE];
	[sflag:s23] =	ssyncadd.s32 $0xFFFFFFFF  }
0xa5: {  	s26 =	simm.s32 $execute0_lowered;
	[smem:$0x3FD2] =	sst s25  }
0xa6: {  	s4 =	sshll.u32 s26, $0x1;
	_ =	strace $0x80000049;
	[dreg:$0x1] =	wrdreg $0xFFFFFFFF  }
0xa7: {  	s28 =	simm.s32 $_size_execute0_lowered;
	s2 =	sadd.s32 s2, s4;
	[dreg:$0x0] =	wrdreg $0x0  }
0xa8: {  	s4 =	sshll.u32 s28, $0x1;
	[dreg:$0x2] =	wrdreg s2  }
0xa9: {  	[dreg:$0x3] =	wrdreg s4  }
0xaa: {  	[dreg:$0x4] =	wrdreg $0xC0  }
0xab: {  	_ =	task [dreg:s6], $0x5FFFF  }
0xac: {  	[dreg:$0x1] =	wrdreg $0xFFFFFFFF  }
0xad: {  	[dreg:$0x0] =	wrdreg $0x60  }
0xae: {  	[dreg:$0x2] =	wrdreg s24  }
0xaf: {  	[dreg:$0x3] =	wrdreg $0x41000  }
0xb0: {  	[dreg:$0x4] =	wrdreg $0x9  }
0xb1: {  	_ =	task.clear_ibuf [dreg:s6], $0x5FFFF;
	_ =	strace $0x90000049  }
0xb2: {  	s29 =	simm.s32 $0x9;
	_ =	strace $0x8000004B  }
0xb3: {  	_ =	swait.ge [sflag:s29], $0x1  }
0xb4: {  	[sflag:s29] =	ssyncadd.s32 $0xFFFFFFFF  }
0xb5: {  	_ =	strace $0x9000004B  }
0xb6: {  	_ =	sfence  }
0xb7: {  	s30 =	sld [smem:$0x0];
	_ =	sdelay $0x2  }
0xb8: {  	s31 =	sshll.u32 s1, $0xD;
	s1 =	sshrl.u32 s1, $0x2  }
0xb9: {  	s3 =	sand.u32 $0x4000, s31;
	s1 =	sadd.s32 s1, s30  }
0xba: {  	s0 =	sor.u32 s3, s0;
	s1 =	sshll.u32 s1, $0x11  }
0xbb: {  	s0 =	sor.u32 s1, s0  }
0xbc: {  	s0 =	sadd.s32 $0x8F2B, s0  }
0xbd: {  	[sflag:s0] =	ssyncadd.remote.s32 $0x1  }
0xbe: {  	_ =	sfence.sel $0xFFFF  }
0xbf: {  	[dreg:$0x0] =	wrdreg $0xFFFFFFFF;
	(pc) =	sbr.abs _section_cstart, $3  }
0xc0: {  	[dreg:$0x1] =	wrdreg $0xFFFFFFFF  }
0xc1: {  	_ =	task.clear_ibuf [dreg:s6], $0x2FFFF;
	_ =	strace $0x9FFFFFFF  }
0xc2: {  	(tm) =	ssettm $0x7FFFFFFF  }
0xc3: {  	_ =	shalt  }
tec
execute0_lowered:
.L_overlay_start_1:
0x0: {  	(tag) =	ssettag $0x1  }
0x1: {  	s6 =	rddreg [dreg:$0x0]  }
0x2: {  	s2 =	rddreg [dreg:$0x1]  }
0x3: {  	s0 =	rddreg [dreg:$0x2]  }
0x4: {  	s4 =	srdreg.scid;
	s1 =	stileid.u32;
	s3 =	simm.s32 $0x0  }
0x5: {  	s15 =	simm.s32 $0x80;
	s16 =	simm.s32 $0x100;
	s17 =	simm.s32 $0x2  }
0x6: {  	s18 =	simm.s32 $0x1;
	s19 =	simm.s32 $0x3;
	s5 =	smul.u32 $0x9D00, s1  }
0x7: {  	s20 =	simm.s32 $0x0;
	s7 =	sand.u32 $0x1, s4;
	s9 =	smul.u32 $0x13C00, s1  }
0x8: {  	[smem:$0x7FF] =	sst s3;
	s4 =	sadd.s32 $0x2CE00, s6;
	s23 =	smul.u32 $0x4F000, s1  }
0x9: {  	s24 =	sshll.u32 s1, $0x1;
	s30 =	sshll.u32 s1, $0x6;
	s8 =	smul.u32 $0x4E80, s7  }
0xa: {  	_ =	strace $0x8000004A;
	s10 =	smul.u32 $0x13C000, s7;
	s25 =	ssub.s32 $0x2, s7  }
0xb: {  	s26 =	sor.u32 s7, s24;
	s11 =	sshrl.u32 s9, $0x3;
	s28 =	sshrl.u32 s25, $0x1  }
0xc: {  	s8 =	sadd.s32 s8, s5;
	s5 =	sadd.s32 $0x19400, s6;
	s22 =	sadd.s32 s11, s6  }
0xd: {  	s9 =	sadd.s32 s9, s10;
	s10 =	sshrl.u32 s23, $0x2;
	s29 =	ssub.s32 s25, s28  }
0xe: {  	s8 =	sshrl.u32 s8, $0x3;
	s9 =	sshrl.u32 s9, $0x3;
	s14 =	sadd.s32 s10, s2  }
0xf: {  	s12 =	sadd.s32 s8, s6;
	s13 =	sadd.s32 s9, s6;
	s6 =	smul.u32 $0x4E80, s26  }
0x10: {  	s7 =	sadd.s32 $0x54000, s22;
	s11 =	smax.u32 s29, $0x1;
	s8 =	sor.u32 $0x1C04, s30  }
0x11: {  	s10 =	sadd.s32 $0x7B800, s13;
	s12 =	sadd.s32 $0x5A00, s12;
	s31 =	sshrl.u32 s6, $0x3  }
0x12: {  	s13 =	sshrl.u32 s14, $0x3;
	s14 =	simm.s32 $0x4;
	s9 =	sadd.s32 s5, s31  }
.LBB2_1:
0x13: {  	[spmem:s13], [sflag:s8] =	dma.local [hbm:s7], $0x2780  }
0x14: {  	_ =	swait.ge [sflag:s14], $0x2780  }
0x15: {  	[sflag:s14] =	ssyncset.done $0x0  }
0x16: {  	[sflag:s14] =	ssyncadd.s32 $0xFFFFD880  }
0x17: {  	[bflag:$0x0] =	sbarrier.arrive $0xFFFF  }
0x18: {  	[tilespmem:s3], [sflag:$0x4] =	stream.linear.gather [hbm4b:s9+s3], $0x80, $0x38;
	[tilespmem:$0x17D00] =	vst v63  }
0x19: {  	_ =	swait.ge [sflag:s14], $0x80  }
0x1a: {  	[sflag:s14] =	ssyncset.done $0x0  }
0x1b: {  	s21 =	smin.u32 s18, $0x9C;
	[sflag:s14] =	ssyncadd.s32 $0xFFFFFF80  }
0x1c: {  	[tilespmem:s15], [sflag:$0x1] =	stream.linear.gather [hbm4b:s12+s3], $0x80, $0x38;
	[tilespmem:$0x17D00] =	vst v63  }
0x1d: {  	s21 =	sshll.u32 s21, $0x7  }
0x1e: {  	[tilespmem:s16], [sflag:$0x2] =	stream.indirect.gather [hbm4b:s4+s15], $0x80, s3, s15, $0xb8;
	[tilespmem:$0x17D00] =	vst v63  }
0x1f: {  	s21 =	sadd.s32 s6, s21;
	_ =	swait.ge [sflag:s17], $0x4000  }
0x20: {  	s21 =	sshrl.u32 s21, $0x3;
	[sflag:s17] =	ssyncset.done $0x0  }
0x21: {  	s21 =	sadd.s32 s5, s21;
	[sflag:s17] =	ssyncadd.s32 $0xFFFFC000  }
0x22: {  	[tilespmem:s3], [sflag:$0x3] =	stream.linear.gather [hbm4b:s21+s3], $0x80, $0x38;
	[tilespmem:$0x17D00] =	vst v63  }
0x23: {  	_ =	swait.ge [sflag:s18], $0x80  }
0x24: {  	[sflag:s18] =	ssyncset.done $0x0  }
0x25: {  	[sflag:s18] =	ssyncadd.s32 $0xFFFFFF80  }
0x26: {  	[spmem:s2] =	stream.indirect.scatter.add.f32 [tilespmem:s16], [sflag:$0x4], $0x80, s15, s15, $0xb8;
	[tilespmem:$0x17D00] =	vst v63  }
0x27: {  	_ =	swait.ge [sflag:s14], $0x4000  }
0x28: {  	[sflag:s14] =	ssyncset.done $0x0  }
0x29: {  	[sflag:s14] =	ssyncadd.s32 $0xFFFFC000  }
0x2a: {  	s22 =	smov.u32 s12;
	s21 =	simm.s32 $0x2;
	_ =	swait.ge [sflag:s19], $0x80  }
.LBB2_2:
0x2b: {  	p0 =	sne.s32 s21, $0x9D;
	[sflag:s19] =	ssyncset.done $0x0;
	s22 =	sadd.s32 $0x10, s22  }
0x2c: {  	s23 =	smov.u32 s21;
	s21 =	sadd.s32 $0x1, s21;
	[sflag:s19] =	ssyncadd.s32 $0xFFFFFF80  }
0x2d: {  	[tilespmem:s15], [sflag:$0x1] =	stream.linear.gather [hbm4b:s22+s3], $0x80, $0x38;
	[tilespmem:$0x17D00] =	vst v63  }
0x2e: {  	s23 =	smin.u32 s23, $0x9C  }
0x2f: {  	[tilespmem:s16], [sflag:$0x2] =	stream.indirect.gather [hbm4b:s4+s15], $0x80, s3, s15, $0xb8;
	[tilespmem:$0x17D00] =	vst v63  }
0x30: {  	s23 =	sshll.u32 s23, $0x7;
	_ =	swait.ge [sflag:s17], $0x4000  }
0x31: {  	s23 =	sadd.s32 s6, s23;
	[sflag:s17] =	ssyncset.done $0x0  }
0x32: {  	s23 =	sshrl.u32 s23, $0x3;
	[sflag:s17] =	ssyncadd.s32 $0xFFFFC000  }
0x33: {  	s23 =	sadd.s32 s5, s23  }
0x34: {  	[tilespmem:s3], [sflag:$0x3] =	stream.linear.gather [hbm4b:s23+s3], $0x80, $0x38;
	[tilespmem:$0x17D00] =	vst v63  }
0x35: {  	_ =	swait.ge [sflag:s18], $0x80  }
0x36: {  	[sflag:s18] =	ssyncset.done $0x0  }
0x37: {  	[sflag:s18] =	ssyncadd.s32 $0xFFFFFF80  }
0x38: {  	[spmem:s2] =	stream.indirect.scatter.add.f32 [tilespmem:s16], [sflag:$0x4], $0x80, s15, s15, $0xb8;
	[tilespmem:$0x17D00] =	vst v63  }
.Ltmp0:
0x39: {  	_ = 	snop;
	(pc) =	sbr.rel @p0 .LBB2_2-.Ltmp0, $4  }
0x3a: {  	_ =	swait.ge [sflag:s14], $0x4000  }
0x3b: {  	[sflag:s14] =	ssyncset.done $0x0  }
0x3c: {  	[sflag:s14] =	ssyncadd.s32 $0xFFFFC000  }
0x3d: {  	_ =	swait.ge [sflag:s19], $0x80  }
0x3e: {  	[sflag:s19] =	ssyncset.done $0x0;
	s20 =	sadd.s32 $0x1, s20  }
0x3f: {  	[sflag:s19] =	ssyncadd.s32 $0xFFFFFF80;
	p0 =	sne.s32 s20, s11  }
.Ltmp1:
0x40: {  	[bflag:$0x0] =	sbarrier.arrive $0xFFFF;
	(pc) =	sbr.rel @p0 .LBB2_1-.Ltmp1, $4  }
0x41: {  	[hbm:s10], [sflag:s8] =	dma.local [spmem:s13], $0x2780  }
0x42: {  	_ =	swait.ge [sflag:s14], $0x2780  }
0x43: {  	[sflag:s14] =	ssyncset.done $0x0  }
0x44: {  	[sflag:s14] =	ssyncadd.s32 $0xFFFFD880  }
0x45: {  	_ =	sfence.sel $0x180000  }
0x46: {  	[bflag:$0x0] =	sbarrier.arrive $0xFFFF  }
0x47: {  	p0 =	sne.s32 s1, $0x0;
	_ =	strace $0x9000004A  }
0x48: {  	s0 =	sadd.s32 @!p0 $0x100000, s0;
	[bflag:$0x2] =	sbarrier.arrive $0xFFFF  }
0x49: {  	[sflag:s0] =	ssyncadd.tile.s32 @!p0 $0x1;
	_ =	shalt  }
.Lfunc_end2:
_tile_overlayer_lowered:
.L_overlay_start_2:
0x4a: {  	(tag) =	ssettag $0x2  }
0x4b: {  	s0 =	rddreg [dreg:$0x0];
	s2 =	stileid.u32  }
0x4c: {  	s1 =	rddreg [dreg:$0x1];
	p0 =	sne.s32 s2, $0x0  }
0x4d: {  	s3 =	rddreg [dreg:$0x2];
	[bflag:$0x3] =	sbarrier.arrive $0xFFFF;
	s2 =	simm.s32 @!p0 $0x1C04  }
0x4e: {  	[timem:s3], [sflag:s2] =	dma.local @!p0 [hbm:s0], s1  }
0x4f: {  	s0 =	simm.s32 @!p0 $0x4  }
0x50: {  	_ =	swait.ge @!p0 [sflag:s0], s1  }
0x51: {  	s1 =	ssub.s32 @!p0 $0x0, s1;
	[sflag:s0] =	ssyncset.done @!p0 $0x0  }
0x52: {  	[sflag:s0] =	ssyncadd.s32 @!p0 s1  }
0x53: {  	[bflag:$0x3] =	sbarrier.arrive $0xFFFF  }
0x54: {  	_ =	shalt  }

// kernel: kernel.9.cloned.1.call-start
scs
__scs_entry_jumppad:
0x0: {  	(pc) =	sbr.rel $0x88, $3  }
0x1: {  	(tag) =	ssettag $0x0;
	lr =	simm.s32 $0x1  }
0x2: {  	[smem:$0x3F80] =	sst lr;
	_ =	strace $0xD0000000  }
0x3: {  	_ = 	snop  }
0x4: {  	_ = 	snop  }
0x5: {  	_ = 	snop  }
0x6: {  	_ = 	snop  }
0x7: {  	_ = 	snop  }
__scs_overlays_trampoline_lowered:
0x8: {  	[smem:$0x3F8F] =	sst s0  }
0x9: {  	[smem:$0x3F90] =	sst s1  }
0xa: {  	[smem:$0x3F91] =	sst s2  }
0xb: {  	[smem:$0x3F92] =	sst s3  }
0xc: {  	[smem:$0x3F93] =	sst s4  }
0xd: {  	[smem:$0x3F94] =	sst s5  }
0xe: {  	[smem:$0x3F95] =	sst s6  }
0xf: {  	[smem:$0x3F96] =	sst s7  }
0x10: {  	[smem:$0x3F97] =	sst s8  }
0x11: {  	[smem:$0x3F98] =	sst s9;
	s0 =	simm.s32 @!p0 $0x0  }
0x12: {  	s1 =	sld [smem:$0x3F7E];
	s0 =	simm.s32 @p0 $0x1  }
0x13: {  	[smem:$0x3F99] =	sst s0;
	s0 =	simm.s32 @!p1 $0x0  }
0x14: {  	s2 =	sld [smem:$0x3F7D];
	s0 =	simm.s32 @p1 $0x1  }
0x15: {  	[smem:$0x3F9A] =	sst s0;
	s0 =	simm.s32 @!p2 $0x0  }
0x16: {  	s3 =	sld [smem:$0x3FDB];
	s0 =	simm.s32 @p2 $0x1  }
0x17: {  	s4 =	simm.s32 $0x1BF5;
	[smem:$0x3F9C] =	sst s0  }
0x18: {  	s0 =	sld [smem:$0x3F7F];
	_ =	swait.ge [sflag:s4], $0x0  }
0x19: {  	s7 =	sld [smem:$0x3F80]  }
0x1a: {  	s8 =	sadd.s32 $0xFFFFE003, lr  }
0x1b: {  	s9 =	sadd.s32 $0xFFFFFEF7, lr;
	s5 =	simm.s32 $0xFFFFFFFF;
	p2 =	slt.u32 s8, $0xFFFFF086  }
0x1c: {  	p1 =	slt.u32 s9, $0xF7A;
	s5 =	simm.s32 @!p2 $0x0  }
0x1d: {  	s5 =	simm.s32 @p1 $0x1;
	p0 =	seq.s32 s7, s2  }
0x1e: {  	s7 =	smul.u32 @!p0 $0xF7A, s2;
	p2 =	seq.s32 @!p0 s5, $0x0  }
0x1f: {  	s9 =	smul.u32 $0xF7A, s1;
	s8 =	simm.s32 @!p0 $0x1BF5;
	p2 =	por !p2, p0  }
0x20: {  	[sflag:s8] =	ssyncset.s32 @!p0 $0xFFFFF086;
	s6 =	sadd.s32 @!p0 s3, s7;
	s7 =	simm.s32 @!p0 $0x108  }
0x21: {  	s3 =	sadd.s32 s3, s9;
	s6 =	sadd.s32 @!p0 $0x88, s6;
	s7 =	simm.s32 @p2 $0x1082  }
0x22: {  	[simem:s7], [sflag:s8] =	dma.local @!p0 [hbm:s6], $0xF7A  }
0x23: {  	s9 =	sor.u32 $0xD0000000, s2;
	s6 =	simm.s32 $0x108;
	_ =	swait.ge @!p0 [sflag:s8], $0x0  }
0x24: {  	s3 =	sadd.s32 $0x88, s3;
	s6 =	simm.s32 @!p1 $0x1082;
	[sflag:s4] =	ssyncset.s32 $0xFFFFF086  }
0x25: {  	[simem:s6], [sflag:s4] =	dma.local [hbm:s3], $0xF7A  }
0x26: {  	[smem:$0x3F80] =	sst s1;
	(tag) =	ssettag s2;
	_ =	strace s9  }
0x27: {  	s1 =	sld [smem:$0x3F90]  }
0x28: {  	s2 =	sld [smem:$0x3F91]  }
0x29: {  	s4 =	sld [smem:$0x3F93]  }
0x2a: {  	p0 =	seq.s32 s5, $0x0;
	s5 =	sld [smem:$0x3F94]  }
0x2b: {  	s6 =	sld [smem:$0x3F95]  }
0x2c: {  	s7 =	sld [smem:$0x3F96]  }
0x2d: {  	s3 =	simm.s32 $0x108;
	s8 =	sld [smem:$0x3F97]  }
0x2e: {  	s3 =	simm.s32 @!p0 $0x1082;
	s9 =	sld [smem:$0x3F98]  }
0x2f: {  	lr =	sadd.s32 s0, s3;
	s0 =	sld [smem:$0x3F8F]  }
0x30: {  	s3 =	sld [smem:$0x3F92]  }
0x31: {  	[smem:$0x3F9B] =	sst s10  }
0x32: {  	s10 =	sld [smem:$0x3F99];
	_ =	sdelay $0x3  }
0x33: {  	p0 =	seq.s32 s10, $0x1;
	s10 =	sld [smem:$0x3F9B];
	_ =	sdelay $0x3  }
0x34: {  	[smem:$0x3F9B] =	sst s10  }
0x35: {  	s10 =	sld [smem:$0x3F9A];
	_ =	sdelay $0x3  }
0x36: {  	p1 =	seq.s32 s10, $0x1;
	s10 =	sld [smem:$0x3F9B];
	_ =	sdelay $0x3  }
0x37: {  	[smem:$0x3F9B] =	sst s10  }
0x38: {  	s10 =	sld [smem:$0x3F9C]  }
0x39: {  	_ = 	snop;
	(pc) =	sbr.ind lr, $3  }
0x3a: {  	_ = 	snop  }
0x3b: {  	_ = 	snop  }
0x3c: {  	p2 =	seq.s32 s10, $0x1;
	s10 =	sld [smem:$0x3F9B]  }
0x3d: {  	_ =	shalt  }
0x3e: {  	_ =	shalt  }
0x3f: {  	_ =	shalt  }
0x40: {  	_ =	shalt  }
0x41: {  	_ =	shalt  }
0x42: {  	_ =	shalt  }
0x43: {  	_ =	shalt  }
0x44: {  	_ =	shalt  }
0x45: {  	_ =	shalt  }
0x46: {  	_ =	shalt  }
0x47: {  	_ =	shalt  }
0x48: {  	_ =	shalt  }
0x49: {  	_ =	shalt  }
0x4a: {  	_ =	shalt  }
0x4b: {  	_ =	shalt  }
0x4c: {  	_ =	shalt  }
0x4d: {  	_ =	shalt  }
0x4e: {  	_ =	shalt  }
0x4f: {  	_ =	shalt  }
0x50: {  	_ =	shalt  }
0x51: {  	_ =	shalt  }
0x52: {  	_ =	shalt  }
0x53: {  	_ =	shalt  }
0x54: {  	_ =	shalt  }
0x55: {  	_ =	shalt  }
0x56: {  	_ =	shalt  }
0x57: {  	_ =	shalt  }
0x58: {  	_ =	shalt  }
0x59: {  	_ =	shalt  }
0x5a: {  	_ =	shalt  }
0x5b: {  	_ =	shalt  }
0x5c: {  	_ =	shalt  }
0x5d: {  	_ =	shalt  }
0x5e: {  	_ =	shalt  }
0x5f: {  	_ =	shalt  }
0x60: {  	_ =	shalt  }
0x61: {  	_ =	shalt  }
0x62: {  	_ =	shalt  }
0x63: {  	_ =	shalt  }
0x64: {  	_ =	shalt  }
0x65: {  	_ =	shalt  }
0x66: {  	_ =	shalt  }
0x67: {  	_ =	shalt  }
0x68: {  	_ =	shalt  }
0x69: {  	_ =	shalt  }
0x6a: {  	_ =	shalt  }
0x6b: {  	_ =	shalt  }
0x6c: {  	_ =	shalt  }
0x6d: {  	_ =	shalt  }
0x6e: {  	_ =	shalt  }
0x6f: {  	_ =	shalt  }
0x70: {  	_ =	shalt  }
0x71: {  	_ =	shalt  }
0x72: {  	_ =	shalt  }
0x73: {  	_ =	shalt  }
0x74: {  	_ =	shalt  }
0x75: {  	_ =	shalt  }
0x76: {  	_ =	shalt  }
0x77: {  	_ =	shalt  }
0x78: {  	_ =	shalt  }
0x79: {  	_ =	shalt  }
0x7a: {  	_ =	shalt  }
0x7b: {  	_ =	shalt  }
0x7c: {  	_ =	shalt  }
0x7d: {  	_ =	shalt  }
0x7e: {  	_ =	shalt  }
0x7f: {  	_ =	shalt  }
0x80: {  	_ =	shalt  }
0x81: {  	_ =	shalt  }
0x82: {  	_ =	shalt  }
0x83: {  	_ =	shalt  }
0x84: {  	_ =	shalt  }
0x85: {  	_ =	shalt  }
0x86: {  	_ =	shalt  }
0x87: {  	_ =	shalt  }
.Lfunc_end0:
.L_simem_size_0:
called_computation_lowered:
.L_overlay_start_0:
0x88: {  	s2 =	sld [smem:$0x3FD9]  }
0x89: {  	s3 =	sld [smem:$0x3FFE];
	_ =	sdelay $0x1  }
0x8a: {  	s1 =	srdreg.scid  }
0x8b: {  	s0 =	sand.u32 $0x1, s1  }
0x8c: {  	s16 =	sshll.u32 s0, $0xA;
	s2 =	sadd.s32 s3, s2  }
0x8d: {  	s2 =	sadd.s32 s2, s16  }
0x8e: {  	[smem:$0x3FA7] =	sst s2  }
0x8f: {  	_ = 	snop  }
0x90: {  	(tm) =	ssettm $0x1  }
0x91: {  	s17 =	sld [smem:$0x3FFB];
	_ =	sdelay $0x3  }
0x92: {  	_ =	strace s17  }
0x93: {  	s2 =	sld [smem:$0x3FFC];
	_ =	sdelay $0x3  }
0x94: {  	_ =	strace s2  }
0x95: {  	s2 =	sld [smem:$0x3FFD];
	_ =	sdelay $0x3  }
0x96: {  	_ =	strace s2  }
0x97: {  	_ =	strace $0x8FFFFFFF  }
0x98: {  	s18 =	sld [smem:$0x3FDB];
	_ =	sdelay $0x1  }
0x99: {  	s19 =	simm.s32 $_scs_section_size  }
0x9a: {  	s4 =	simm.s32 $_size__tile_overlayer_lowered;
	s5 =	simm.s32 $_tile_overlayer_lowered  }
0x9b: {  	s22 =	simm.s32 $0x1BFF;
	s21 =	sshll.u32 s5, $0x1;
	s2 =	sadd.s32 s19, s18  }
0x9c: {  	s6 =	simm.s32 $0x0;
	s20 =	sshll.u32 s4, $0x1;
	s4 =	sadd.s32 s21, s2  }
0x9d: {  	[timem:s6], [sflag:s22] =	dma.local [hbm:s4], s20  }
0x9e: {  	_ =	swait.ge [sflag:s22], s20  }
0x9f: {  	s3 =	ssub.s32 $0x0, s20;
	[sflag:s22] =	ssyncset.done $0x0  }
0xa0: {  	[sflag:s22] =	ssyncadd.s32 s3;
	_ =	sdelay $0x1  }
0xa1: {  	s23 =	simm.s32 $0x1B8B  }
0xa2: {  	_ =	swait.ge [sflag:s23], $0x1  }
0xa3: {  	[sflag:s23] =	ssyncset.done $0x0  }
0xa4: {  	s25 =	simm.s32 $0x1B8E;
	s24 =	sld [smem:$0x3FFE];
	[sflag:s23] =	ssyncadd.s32 $0xFFFFFFFF  }
0xa5: {  	s26 =	simm.s32 $execute0_lowered;
	[smem:$0x3FD2] =	sst s25  }
0xa6: {  	s4 =	sshll.u32 s26, $0x1;
	_ =	strace $0x80000046;
	[dreg:$0x1] =	wrdreg $0xFFFFFFFF  }
0xa7: {  	s28 =	simm.s32 $_size_execute0_lowered;
	s2 =	sadd.s32 s2, s4;
	[dreg:$0x0] =	wrdreg $0x0  }
0xa8: {  	s4 =	sshll.u32 s28, $0x1;
	[dreg:$0x2] =	wrdreg s2  }
0xa9: {  	[dreg:$0x3] =	wrdreg s4  }
0xaa: {  	[dreg:$0x4] =	wrdreg $0xC0  }
0xab: {  	_ =	task [dreg:s6], $0x5FFFF  }
0xac: {  	[dreg:$0x1] =	wrdreg $0xFFFFFFFF  }
0xad: {  	[dreg:$0x0] =	wrdreg $0x60  }
0xae: {  	[dreg:$0x2] =	wrdreg s24  }
0xaf: {  	[dreg:$0x3] =	wrdreg $0x41000  }
0xb0: {  	[dreg:$0x4] =	wrdreg $0x9  }
0xb1: {  	_ =	task.clear_ibuf [dreg:s6], $0x5FFFF;
	_ =	strace $0x90000046  }
0xb2: {  	s29 =	simm.s32 $0x9;
	_ =	strace $0x80000048  }
0xb3: {  	_ =	swait.ge [sflag:s29], $0x1  }
0xb4: {  	[sflag:s29] =	ssyncadd.s32 $0xFFFFFFFF  }
0xb5: {  	_ =	strace $0x90000048  }
0xb6: {  	_ =	sfence  }
0xb7: {  	s30 =	sld [smem:$0x0];
	_ =	sdelay $0x2  }
0xb8: {  	s31 =	sshll.u32 s1, $0xD;
	s1 =	sshrl.u32 s1, $0x2  }
0xb9: {  	s3 =	sand.u32 $0x4000, s31;
	s1 =	sadd.s32 s1, s30  }
0xba: {  	s0 =	sor.u32 s3, s0;
	s1 =	sshll.u32 s1, $0x11  }
0xbb: {  	s0 =	sor.u32 s1, s0  }
0xbc: {  	s0 =	sadd.s32 $0x8F2B, s0  }
0xbd: {  	[sflag:s0] =	ssyncadd.remote.s32 $0x1  }
0xbe: {  	_ =	sfence.sel $0xFFFF  }
0xbf: {  	[dreg:$0x0] =	wrdreg $0xFFFFFFFF;
	(pc) =	sbr.abs _section_cstart, $3  }
0xc0: {  	[dreg:$0x1] =	wrdreg $0xFFFFFFFF  }
0xc1: {  	_ =	task.clear_ibuf [dreg:s6], $0x2FFFF;
	_ =	strace $0x9FFFFFFF  }
0xc2: {  	(tm) =	ssettm $0x7FFFFFFF  }
0xc3: {  	_ =	shalt  }
tec
execute0_lowered:
.L_overlay_start_1:
0x0: {  	(tag) =	ssettag $0x1  }
0x1: {  	s6 =	rddreg [dreg:$0x0]  }
0x2: {  	s2 =	rddreg [dreg:$0x1]  }
0x3: {  	s0 =	rddreg [dreg:$0x2]  }
0x4: {  	s4 =	srdreg.scid;
	s1 =	stileid.u32;
	s3 =	simm.s32 $0x0  }
0x5: {  	s15 =	simm.s32 $0x80;
	s16 =	simm.s32 $0x100;
	s17 =	simm.s32 $0x2  }
0x6: {  	s18 =	simm.s32 $0x1;
	s19 =	simm.s32 $0x3;
	s5 =	smul.u32 $0x9D00, s1  }
0x7: {  	s20 =	simm.s32 $0x0;
	s7 =	sand.u32 $0x1, s4;
	s9 =	smul.u32 $0x13C00, s1  }
0x8: {  	[smem:$0x7FF] =	sst s3;
	s4 =	sadd.s32 $0x2CE00, s6;
	s23 =	smul.u32 $0x4F000, s1  }
0x9: {  	s24 =	sshll.u32 s1, $0x1;
	s30 =	sshll.u32 s1, $0x6;
	s8 =	smul.u32 $0x4E80, s7  }
0xa: {  	_ =	strace $0x80000047;
	s10 =	smul.u32 $0x13C000, s7;
	s25 =	ssub.s32 $0x2, s7  }
0xb: {  	s26 =	sor.u32 s7, s24;
	s11 =	sshrl.u32 s9, $0x3;
	s28 =	sshrl.u32 s25, $0x1  }
0xc: {  	s8 =	sadd.s32 s8, s5;
	s5 =	sadd.s32 $0x19400, s6;
	s22 =	sadd.s32 s11, s6  }
0xd: {  	s9 =	sadd.s32 s9, s10;
	s10 =	sshrl.u32 s23, $0x2;
	s29 =	ssub.s32 s25, s28  }
0xe: {  	s8 =	sshrl.u32 s8, $0x3;
	s9 =	sshrl.u32 s9, $0x3;
	s14 =	sadd.s32 s10, s2  }
0xf: {  	s12 =	sadd.s32 s8, s6;
	s13 =	sadd.s32 s9, s6;
	s6 =	smul.u32 $0x4E80, s26  }
0x10: {  	s7 =	sadd.s32 $0x54000, s22;
	s11 =	smax.u32 s29, $0x1;
	s8 =	sor.u32 $0x1C04, s30  }
0x11: {  	s10 =	sadd.s32 $0x7B800, s13;
	s12 =	sadd.s32 $0x5A00, s12;
	s31 =	sshrl.u32 s6, $0x3  }
0x12: {  	s13 =	sshrl.u32 s14, $0x3;
	s14 =	simm.s32 $0x4;
	s9 =	sadd.s32 s5, s31  }
.LBB2_1:
0x13: {  	[spmem:s13], [sflag:s8] =	dma.local [hbm:s7], $0x2780  }
0x14: {  	_ =	swait.ge [sflag:s14], $0x2780  }
0x15: {  	[sflag:s14] =	ssyncset.done $0x0  }
0x16: {  	[sflag:s14] =	ssyncadd.s32 $0xFFFFD880  }
0x17: {  	[bflag:$0x0] =	sbarrier.arrive $0xFFFF  }
0x18: {  	[tilespmem:s3], [sflag:$0x4] =	stream.linear.gather [hbm4b:s9+s3], $0x80, $0x38;
	[tilespmem:$0x17D00] =	vst v63  }
0x19: {  	_ =	swait.ge [sflag:s14], $0x80  }
0x1a: {  	[sflag:s14] =	ssyncset.done $0x0  }
0x1b: {  	s21 =	smin.u32 s18, $0x9C;
	[sflag:s14] =	ssyncadd.s32 $0xFFFFFF80  }
0x1c: {  	[tilespmem:s15], [sflag:$0x1] =	stream.linear.gather [hbm4b:s12+s3], $0x80, $0x38;
	[tilespmem:$0x17D00] =	vst v63  }
0x1d: {  	s21 =	sshll.u32 s21, $0x7  }
0x1e: {  	[tilespmem:s16], [sflag:$0x2] =	stream.indirect.gather [hbm4b:s4+s15], $0x80, s3, s15, $0xb8;
	[tilespmem:$0x17D00] =	vst v63  }
0x1f: {  	s21 =	sadd.s32 s6, s21;
	_ =	swait.ge [sflag:s17], $0x4000  }
0x20: {  	s21 =	sshrl.u32 s21, $0x3;
	[sflag:s17] =	ssyncset.done $0x0  }
0x21: {  	s21 =	sadd.s32 s5, s21;
	[sflag:s17] =	ssyncadd.s32 $0xFFFFC000  }
0x22: {  	[tilespmem:s3], [sflag:$0x3] =	stream.linear.gather [hbm4b:s21+s3], $0x80, $0x38;
	[tilespmem:$0x17D00] =	vst v63  }
0x23: {  	_ =	swait.ge [sflag:s18], $0x80  }
0x24: {  	[sflag:s18] =	ssyncset.done $0x0  }
0x25: {  	[sflag:s18] =	ssyncadd.s32 $0xFFFFFF80  }
0x26: {  	[spmem:s2] =	stream.indirect.scatter.add.f32 [tilespmem:s16], [sflag:$0x4], $0x80, s15, s15, $0xb8;
	[tilespmem:$0x17D00] =	vst v63  }
0x27: {  	_ =	swait.ge [sflag:s14], $0x4000  }
0x28: {  	[sflag:s14] =	ssyncset.done $0x0  }
0x29: {  	[sflag:s14] =	ssyncadd.s32 $0xFFFFC000  }
0x2a: {  	s22 =	smov.u32 s12;
	s21 =	simm.s32 $0x2;
	_ =	swait.ge [sflag:s19], $0x80  }
.LBB2_2:
0x2b: {  	p0 =	sne.s32 s21, $0x9D;
	[sflag:s19] =	ssyncset.done $0x0;
	s22 =	sadd.s32 $0x10, s22  }
0x2c: {  	s23 =	smov.u32 s21;
	s21 =	sadd.s32 $0x1, s21;
	[sflag:s19] =	ssyncadd.s32 $0xFFFFFF80  }
0x2d: {  	[tilespmem:s15], [sflag:$0x1] =	stream.linear.gather [hbm4b:s22+s3], $0x80, $0x38;
	[tilespmem:$0x17D00] =	vst v63  }
0x2e: {  	s23 =	smin.u32 s23, $0x9C  }
0x2f: {  	[tilespmem:s16], [sflag:$0x2] =	stream.indirect.gather [hbm4b:s4+s15], $0x80, s3, s15, $0xb8;
	[tilespmem:$0x17D00] =	vst v63  }
0x30: {  	s23 =	sshll.u32 s23, $0x7;
	_ =	swait.ge [sflag:s17], $0x4000  }
0x31: {  	s23 =	sadd.s32 s6, s23;
	[sflag:s17] =	ssyncset.done $0x0  }
0x32: {  	s23 =	sshrl.u32 s23, $0x3;
	[sflag:s17] =	ssyncadd.s32 $0xFFFFC000  }
0x33: {  	s23 =	sadd.s32 s5, s23  }
0x34: {  	[tilespmem:s3], [sflag:$0x3] =	stream.linear.gather [hbm4b:s23+s3], $0x80, $0x38;
	[tilespmem:$0x17D00] =	vst v63  }
0x35: {  	_ =	swait.ge [sflag:s18], $0x80  }
0x36: {  	[sflag:s18] =	ssyncset.done $0x0  }
0x37: {  	[sflag:s18] =	ssyncadd.s32 $0xFFFFFF80  }
0x38: {  	[spmem:s2] =	stream.indirect.scatter.add.f32 [tilespmem:s16], [sflag:$0x4], $0x80, s15, s15, $0xb8;
	[tilespmem:$0x17D00] =	vst v63  }
.Ltmp0:
0x39: {  	_ = 	snop;
	(pc) =	sbr.rel @p0 .LBB2_2-.Ltmp0, $4  }
0x3a: {  	_ =	swait.ge [sflag:s14], $0x4000  }
0x3b: {  	[sflag:s14] =	ssyncset.done $0x0  }
0x3c: {  	[sflag:s14] =	ssyncadd.s32 $0xFFFFC000  }
0x3d: {  	_ =	swait.ge [sflag:s19], $0x80  }
0x3e: {  	[sflag:s19] =	ssyncset.done $0x0;
	s20 =	sadd.s32 $0x1, s20  }
0x3f: {  	[sflag:s19] =	ssyncadd.s32 $0xFFFFFF80;
	p0 =	sne.s32 s20, s11  }
.Ltmp1:
0x40: {  	[bflag:$0x0] =	sbarrier.arrive $0xFFFF;
	(pc) =	sbr.rel @p0 .LBB2_1-.Ltmp1, $4  }
0x41: {  	[hbm:s10], [sflag:s8] =	dma.local [spmem:s13], $0x2780  }
0x42: {  	_ =	swait.ge [sflag:s14], $0x2780  }
0x43: {  	[sflag:s14] =	ssyncset.done $0x0  }
0x44: {  	[sflag:s14] =	ssyncadd.s32 $0xFFFFD880  }
0x45: {  	_ =	sfence.sel $0x180000  }
0x46: {  	[bflag:$0x0] =	sbarrier.arrive $0xFFFF  }
0x47: {  	p0 =	sne.s32 s1, $0x0;
	_ =	strace $0x90000047  }
0x48: {  	s0 =	sadd.s32 @!p0 $0x100000, s0;
	[bflag:$0x2] =	sbarrier.arrive $0xFFFF  }
0x49: {  	[sflag:s0] =	ssyncadd.tile.s32 @!p0 $0x1;
	_ =	shalt  }
.Lfunc_end2:
_tile_overlayer_lowered:
.L_overlay_start_2:
0x4a: {  	(tag) =	ssettag $0x2  }
0x4b: {  	s0 =	rddreg [dreg:$0x0];
	s2 =	stileid.u32  }
0x4c: {  	s1 =	rddreg [dreg:$0x1];
	p0 =	sne.s32 s2, $0x0  }
0x4d: {  	s3 =	rddreg [dreg:$0x2];
	[bflag:$0x3] =	sbarrier.arrive $0xFFFF;
	s2 =	simm.s32 @!p0 $0x1C04  }
0x4e: {  	[timem:s3], [sflag:s2] =	dma.local @!p0 [hbm:s0], s1  }
0x4f: {  	s0 =	simm.s32 @!p0 $0x4  }
0x50: {  	_ =	swait.ge @!p0 [sflag:s0], s1  }
0x51: {  	s1 =	ssub.s32 @!p0 $0x0, s1;
	[sflag:s0] =	ssyncset.done @!p0 $0x0  }
0x52: {  	[sflag:s0] =	ssyncadd.s32 @!p0 s1  }
0x53: {  	[bflag:$0x3] =	sbarrier.arrive $0xFFFF  }
0x54: {  	_ =	shalt  }

</sc_bundles>
